<compile_context>
chip_gen: v7x
topology: tpu7x:2x2x1
jax: 0.10.2.dev20260603
libtpu: 0.0.44.dev20260713+nightly
codegen_flags: <defaults>
</compile_context>

<pallas_src>
import functools

import jax
import jax.numpy as jnp
from jax import lax
from jax.experimental import pallas as pl
from jax.experimental.pallas import tpu as pltpu
from jax.experimental.pallas import tpu_sc as plsc

NC, NS = 2, 16
SPLIT0 = 3
CH = 128

F32 = jnp.float32
HIGH = lax.Precision.HIGHEST



def _make_deg(n_pad, e_pad):
    rows_per_tile = e_pad // (NC * NS * CH)
    mesh = plsc.VectorSubcoreMesh(core_axis_name="c", subcore_axis_name="s", num_cores=NC, num_subcores=NS)

    def body(dst_hbm, z_hbm, out_hbm, idx_v, ones_v, acc_sh, sem):
        c = lax.axis_index("c")
        s = lax.axis_index("s")
        wid = c * NS + s
        nrows_n = n_pad // NS
        nbase = pl.multiple_of(s * nrows_n, 8)
        ebase = pl.multiple_of(wid * rows_per_tile, 8)

        @pl.loop(0, CH)
        def _(i):
            for k in range(8):
                ones_v[i, pl.ds(16 * k, 16)] = jnp.full((16,), 1.0, F32)

        pltpu.sync_copy(z_hbm, acc_sh.at[pl.ds(nbase, nrows_n)])
        pltpu.sync_copy(dst_hbm.at[pl.ds(ebase, rows_per_tile)],
                        idx_v)
        plsc.subcore_barrier()

        @pl.loop(0, rows_per_tile)
        def _(j):
            pltpu.sync_copy(ones_v, acc_sh.at[idx_v.at[j]], add=True)

        plsc.subcore_barrier()
        pltpu.sync_copy(acc_sh.at[pl.ds(nbase, nrows_n)],
                        out_hbm.at[c].at[pl.ds(nbase, nrows_n)])

    return pl.kernel(
        body,
        out_type=jax.ShapeDtypeStruct((NC, n_pad, 128), F32),
        mesh=mesh,
        scratch_types=[
            pltpu.VMEM((rows_per_tile, CH), jnp.int32),
            pltpu.VMEM((CH, 128), F32),
            pltpu.VMEM_SHARED((n_pad, 128), F32),
            pltpu.SemaphoreType.DMA,
        ],
    )


def _make_agg(n_pad, e_pad, colsplit):
    CHA = 64
    IB = 2560
    NCHUNK = IB // CHA
    if colsplit:
        e_subs = (e_pad // NS, e_pad // NS)
        starts = (0, 0)
    else:
        c0 = e_pad * SPLIT0 // 4
        e_subs = (c0 // NS, (e_pad - c0) // NS)
        starts = (0, c0 // CHA)
    n_obs = tuple(es // IB for es in e_subs)
    mesh = plsc.VectorSubcoreMesh(core_axis_name="c", subcore_axis_name="s",
                                  num_cores=NC, num_subcores=NS)

    def body(g_hbm, src_hbm, dst_hbm, z_hbm, out_hbm,
             idxs_v, idxd_v, r0, r1, r2, r3, acc_sh, g0, g1, g2, g3):
        rbufs = (r0, r1, r2, r3)
        gsems = (g0, g1, g2, g3)
        c = lax.axis_index("c")
        s = lax.axis_index("s")
        nrows_n = n_pad // NS
        nbase = pl.multiple_of(s * nrows_n, 8)
        gc = g_hbm.at[c] if colsplit else g_hbm

        pltpu.sync_copy(z_hbm, acc_sh.at[pl.ds(nbase, nrows_n)])
        plsc.subcore_barrier()

        def stages(cc):
            erow = pl.multiple_of(starts[cc] + s * (e_subs[cc] // CHA), 8)

            @pl.loop(0, n_obs[cc])
            def _(ob):
                rowb = pl.multiple_of(erow + ob * NCHUNK, 8)
                pltpu.sync_copy(src_hbm.at[pl.ds(rowb, NCHUNK)], idxs_v)
                pltpu.sync_copy(dst_hbm.at[pl.ds(rowb, NCHUNK)], idxd_v)

                @pl.loop(0, NCHUNK, step=4)
                def _(k):
                    ds = [pltpu.async_copy(gc.at[idxs_v.at[k + u]], rbufs[u],
                                           gsems[u]) for u in range(4)]
                    for u in range(4):
                        ds[u].wait()
                        pltpu.sync_copy(rbufs[u], acc_sh.at[idxd_v.at[k + u]],
                                        add=True)

        if colsplit:
            stages(0)
        else:
            @pl.when(c == 0)
            def _():
                stages(0)

            @pl.when(c == 1)
            def _():
                stages(1)

        plsc.subcore_barrier()
        pltpu.sync_copy(acc_sh.at[pl.ds(nbase, nrows_n)],
                        out_hbm.at[c].at[pl.ds(nbase, nrows_n)])

    return pl.kernel(
        body,
        out_type=jax.ShapeDtypeStruct((NC, n_pad, 128), F32),
        mesh=mesh,
        scratch_types=[
            pltpu.VMEM((NCHUNK, CHA), jnp.int32),
            pltpu.VMEM((NCHUNK, CHA), jnp.int32),
            pltpu.VMEM((CHA, 128), F32),
            pltpu.VMEM((CHA, 128), F32),
            pltpu.VMEM((CHA, 128), F32),
            pltpu.VMEM((CHA, 128), F32),
            pltpu.VMEM_SHARED((n_pad, 128), F32),
            pltpu.SemaphoreType.DMA,
            pltpu.SemaphoreType.DMA,
            pltpu.SemaphoreType.DMA,
            pltpu.SemaphoreType.DMA,
        ],
    )



def _matmul_body(x_ref, w_ref, o_ref):
    o_ref[...] = lax.dot_general(x_ref[...], w_ref[...],
                                 (((1,), (0,)), ((), ())),
                                 precision=HIGH,
                                 preferred_element_type=F32)


def _dinv_from(dp):
    deg = dp[0, :, 0] + dp[1, :, 0] + 1.0
    return lax.rsqrt(deg)


def _scale_body(h_ref, degp_ref, o_ref):
    dinv = _dinv_from(degp_ref[...])
    o_ref[0] = h_ref[...] * dinv[:, None]


def _mid_body(acc_ref, g_ref, degp_ref, b1_ref, w2_ref, o_ref):
    dinv = _dinv_from(degp_ref[...])
    a = (jnp.concatenate([acc_ref[0], acc_ref[1]], axis=1)
         + jnp.concatenate([g_ref[0], g_ref[1]], axis=1))
    out1 = a * dinv[:, None] + b1_ref[...]
    h = jnp.maximum(out1, 0.0)
    h2 = lax.dot_general(h, w2_ref[...], (((1,), (0,)), ((), ())),
                         precision=HIGH, preferred_element_type=F32)
    o_ref[...] = h2 * dinv[:, None]


def _pool_body(nblk, acc_ref, g_ref, degp_ref, b2_ref, batch_ref, o_ref,
               pool_acc, cnt_acc):
    i = pl.program_id(0)

    @pl.when(i == 0)
    def _():
        pool_acc[...] = jnp.zeros_like(pool_acc)
        cnt_acc[...] = jnp.zeros_like(cnt_acc)

    dinv = _dinv_from(degp_ref[...])
    a = acc_ref[0] + acc_ref[1] + g_ref[...]
    out2 = a * dinv[:, None] + b2_ref[...]
    b = batch_ref[...][:, 0]
    onehot = (b[:, None]
              == lax.broadcasted_iota(jnp.int32, (1, 64), 1)).astype(F32)
    pool_acc[...] += lax.dot_general(onehot, out2, (((0,), (0,)), ((), ())),
                                     precision=HIGH,
                                     preferred_element_type=F32)
    cnt_acc[...] += jnp.sum(onehot, axis=0, keepdims=True)

    @pl.when(i == nblk - 1)
    def _():
        cnt = jnp.maximum(cnt_acc[...], 1.0)
        pooled = pool_acc[...] / cnt[0][:, None]
        m = jnp.max(pooled, axis=1, keepdims=True)
        e = pooled - m
        lse = jnp.log(jnp.sum(jnp.exp(e), axis=1, keepdims=True))
        o_ref[...] = e - lse



def kernel(x, edge_index, batch, W1, b1, W2, b2):
    n, din = x.shape
    dh = W1.shape[1]
    dout = W2.shape[1]
    e = edge_index.shape[1]
    g_graphs = 64

    n_pad = 10240
    e_grain = NC * NS * CH * 8
    e_pad = e_grain * ((e + e_grain - 1) // e_grain)
    blk = 1024
    nblk_pad = n_pad // blk
    pblk = 1000
    npblk = n // pblk

    x_pad = jnp.zeros((n_pad, din), F32).at[:n].set(x)
    pad = jnp.full((e_pad - e,), n, jnp.int32)
    src1d = jnp.concatenate([edge_index[0], pad])
    dst1d = jnp.concatenate([edge_index[1], pad])
    dst2d = dst1d.reshape(e_pad // CH, CH)
    src2da = src1d.reshape(e_pad // 64, 64)
    dst2da = dst1d.reshape(e_pad // 64, 64)
    batch2d = batch.reshape(n, 1)
    b1r = b1.reshape(1, dh)
    b2r = b2.reshape(1, dout)
    z128 = jnp.zeros((n_pad // NS, 128), F32)

    degp = _make_deg(n_pad, e_pad)(dst2d, z128)

    h1 = pl.pallas_call(
        _matmul_body,
        grid=(nblk_pad,),
        in_specs=[pl.BlockSpec((blk, din), lambda i: (i, 0)),
                  pl.BlockSpec((din, dh), lambda i: (0, 0))],
        out_specs=pl.BlockSpec((blk, dh), lambda i: (i, 0)),
        out_shape=jax.ShapeDtypeStruct((n_pad, dh), F32),
    )(x_pad, W1)

    g1 = pl.pallas_call(
        _scale_body,
        grid=(nblk_pad, NC),
        in_specs=[pl.BlockSpec((blk, 128), lambda i, c: (i, c)),
                  pl.BlockSpec((NC, blk, 128), lambda i, c: (0, i, 0))],
        out_specs=pl.BlockSpec((1, blk, 128), lambda i, c: (c, i, 0)),
        out_shape=jax.ShapeDtypeStruct((NC, n_pad, 128), F32),
    )(h1, degp)

    acc1 = _make_agg(n_pad, e_pad, colsplit=True)(g1, src2da, dst2da, z128)

    g2 = pl.pallas_call(
        _mid_body,
        grid=(nblk_pad,),
        in_specs=[pl.BlockSpec((NC, blk, 128), lambda i: (0, i, 0)),
                  pl.BlockSpec((NC, blk, 128), lambda i: (0, i, 0)),
                  pl.BlockSpec((NC, blk, 128), lambda i: (0, i, 0)),
                  pl.BlockSpec((1, dh), lambda i: (0, 0)),
                  pl.BlockSpec((dh, dout), lambda i: (0, 0))],
        out_specs=pl.BlockSpec((blk, dout), lambda i: (i, 0)),
        out_shape=jax.ShapeDtypeStruct((n_pad, dout), F32),
    )(acc1, g1, degp, b1r, W2)

    acc2 = _make_agg(n_pad, e_pad, colsplit=False)(g2, src2da, dst2da, z128)

    out = pl.pallas_call(
        functools.partial(_pool_body, npblk),
        grid=(npblk,),
        in_specs=[pl.BlockSpec((NC, pblk, 128), lambda i: (0, i, 0)),
                  pl.BlockSpec((pblk, dout), lambda i: (i, 0)),
                  pl.BlockSpec((NC, pblk, 128), lambda i: (0, i, 0)),
                  pl.BlockSpec((1, dout), lambda i: (0, 0)),
                  pl.BlockSpec((pblk, 1), lambda i: (i, 0))],
        out_specs=pl.BlockSpec((g_graphs, dout), lambda i: (0, 0)),
        out_shape=jax.ShapeDtypeStruct((g_graphs, dout), F32),
        scratch_shapes=[pltpu.VMEM((g_graphs, dout), F32),
                        pltpu.VMEM((1, g_graphs), F32)],
    )(acc2, g2, degp, b2r, batch2d)

    return out

# --- scband reference (transcript-rebuilt; emitter-appended) ---
"""Pipeline reference for scband-gcn-1365799600193 (READ-ONLY COPY).

The authoritative reference and input builder live on the scoring server;
editing this copy changes nothing except your own understanding.
"""

import jax, jax.numpy as jnp
import numpy as np

N = 10000
E = 160000
DIN = 256
DH = 256
DOUT = 128
G = 64


def setup_inputs(seed: int = 0) -> dict:
    key = jax.random.key(seed)
    k1, k2, k3, k4, k5 = jax.random.split(key, 5)
    x = jax.random.normal(k1, (N, DIN), dtype=jnp.float32)
    edge_index = jax.random.randint(k2, (2, E), 0, N, dtype=jnp.int32)
    batch = jnp.sort(jax.random.randint(k3, (N,), 0, G, dtype=jnp.int32))
    W1 = jax.random.normal(k4, (DIN, DH), dtype=jnp.float32) * 0.05
    b1 = jnp.zeros((DH,), dtype=jnp.float32)
    W2 = jax.random.normal(k5, (DH, DOUT), dtype=jnp.float32) * 0.05
    b2 = jnp.zeros((DOUT,), dtype=jnp.float32)
    return {"x": x, "edge_index": edge_index, "batch": batch, "W1": W1, "b1": b1, "W2": W2, "b2": b2}


def _gcn_conv(x, edge_index, W, b):
    # PyG GCNConv: linear transform, add self-loops, symmetric normalization, scatter-add aggregate
    h = x @ W
    loop = jnp.arange(N, dtype=edge_index.dtype)
    src = jnp.concatenate([edge_index[0], loop])
    dst = jnp.concatenate([edge_index[1], loop])
    deg = jax.ops.segment_sum(jnp.ones_like(dst, dtype=h.dtype), dst, num_segments=N)
    dinv = jnp.where(deg > 0, jax.lax.rsqrt(jnp.maximum(deg, 1e-12)), 0.0)
    norm = dinv[src] * dinv[dst]
    out = jax.ops.segment_sum(h[src] * norm[:, None], dst, num_segments=N)
    return out + b


def reference(x, edge_index, batch, W1, b1, W2, b2):
    h = _gcn_conv(x, edge_index, W1, b1)
    h = jax.nn.relu(h)
    h = _gcn_conv(h, edge_index, W2, b2)
    # global_mean_pool over graph assignment `batch`
    counts = jax.ops.segment_sum(jnp.ones((N,), dtype=h.dtype), batch, num_segments=G)
    pooled = jax.ops.segment_sum(h, batch, num_segments=G) / jnp.maximum(counts, 1.0)[:, None]
    return jax.nn.log_softmax(pooled, axis=1)

if __name__ == "__main__":
    import jax
    _d = setup_inputs()
    print(jax.jit(kernel)(*tuple(_d.values())))

</pallas_src>

<mosaic_0001>
#map = affine_map<(d0, d1) -> (0, 0)>
#map1 = affine_map<(d0, d1) -> (0, 0, 0)>
module attributes {stable_mosaic.version = 14 : i64} {
  func.func @body(%arg0: i32, %arg1: i32, %arg2: memref<1280x128xi32, #tpu.memory_space<hbm>>, %arg3: memref<640x128xf32, #tpu.memory_space<hbm>>, %arg4: memref<2x10240x128xf32, #tpu.memory_space<hbm>>, %arg5: memref<40x128xi32, #tpu.memory_space<vmem>>, %arg6: memref<128x128xf32, #tpu.memory_space<vmem>>, %arg7: memref<10240x128xf32, #tpu.memory_space<vmem_shared>>, %arg8: memref<!tpu.dma_semaphore, #tpu.memory_space<semaphore_mem>>) attributes {dimension_semantics = [#tpu.dimension_semantics<core_parallel>, #tpu.dimension_semantics<subcore_parallel>], iteration_bounds = array<i64: 2, 16>, scalar_prefetch = 0 : i64, scratch_operands = 4 : i64, tpu.core_type = #tpu.core_type<sc_vector_subcore>, window_params = [{transform_indices = #map}, {transform_indices = #map}, {transform_indices = #map1}]} {
    %mul3A = arith.constant 16 : i32
    %mul3A_0 = arith.muli %arg0, %mul3A : i32
    %add3A = arith.addi %mul3A_0, %arg1 : i32
    %mul3A_1 = arith.constant 640 : i32
    %mul3A_2 = arith.muli %arg1, %mul3A_1 : i32
    %multiple_of3A = tpu.assume_multiple %mul3A_2, 8 : i32
    %mul3A_3 = arith.constant 40 : i32
    %mul3A_4 = arith.muli %add3A, %mul3A_3 : i32
    %multiple_of3A_5 = tpu.assume_multiple %mul3A_4, 8 : i32
    %scan3A = arith.constant 0 : i32
    %scan3A_6 = arith.constant 128 : i32
    %scan3A_7 = arith.addi %scan3A, %scan3A_6 : i32
    %scan3A_8 = arith.constant 1 : i32
    scf.for %scan3A_16 = %scan3A to %scan3A_7 step %scan3A_8  : i32 {
      %mul3A_17 = arith.constant 1 : i32
      %mul3A_18 = arith.muli %scan3A_16, %mul3A_17 : i32
      %add3A_19 = arith.constant 0 : i32
      %add3A_20 = arith.addi %add3A_19, %mul3A_18 : i32
      %broadcast_in_dim3A = arith.constant 1.000000e+00 : f32
      %broadcast_in_dim3A_21 = vector.broadcast %broadcast_in_dim3A : f32 to vector<16xf32>
      %swap3A = arith.index_cast %add3A_20 : i32 to index
      %swap3A_22 = arith.constant 0 : index
      %swap3A_23 = tpu.vector_load %arg6[%swap3A, %swap3A_22] {strides = array<i32>} : memref<128x128xf32, #tpu.memory_space<vmem>>, vector<1x16xf32>,
      %swap3A_24 = vector.shape_cast %swap3A_23 : vector<1x16xf32> to vector<16xf32>
      %swap3A_25 = vector.shape_cast %broadcast_in_dim3A_21 : vector<16xf32> to vector<1x16xf32>
      tpu.vector_store %arg6[%swap3A, %swap3A_22], %swap3A_25 {strides = array<i32>} : memref<128x128xf32, #tpu.memory_space<vmem>>, vector<1x16xf32>,
      %broadcast_in_dim3A_26 = arith.constant 1.000000e+00 : f32
      %broadcast_in_dim3A_27 = vector.broadcast %broadcast_in_dim3A_26 : f32 to vector<16xf32>
      %swap3A_28 = arith.index_cast %add3A_20 : i32 to index
      %swap3A_29 = arith.constant 16 : index
      %swap3A_30 = tpu.vector_load %arg6[%swap3A_28, %swap3A_29] {strides = array<i32>} : memref<128x128xf32, #tpu.memory_space<vmem>>, vector<1x16xf32>,
      %swap3A_31 = vector.shape_cast %swap3A_30 : vector<1x16xf32> to vector<16xf32>
      %swap3A_32 = vector.shape_cast %broadcast_in_dim3A_27 : vector<16xf32> to vector<1x16xf32>
      tpu.vector_store %arg6[%swap3A_28, %swap3A_29], %swap3A_32 {strides = array<i32>} : memref<128x128xf32, #tpu.memory_space<vmem>>, vector<1x16xf32>,
      %broadcast_in_dim3A_33 = arith.constant 1.000000e+00 : f32
      %broadcast_in_dim3A_34 = vector.broadcast %broadcast_in_dim3A_33 : f32 to vector<16xf32>
      %swap3A_35 = arith.index_cast %add3A_20 : i32 to index
      %swap3A_36 = arith.constant 32 : index
      %swap3A_37 = tpu.vector_load %arg6[%swap3A_35, %swap3A_36] {strides = array<i32>} : memref<128x128xf32, #tpu.memory_space<vmem>>, vector<1x16xf32>,
      %swap3A_38 = vector.shape_cast %swap3A_37 : vector<1x16xf32> to vector<16xf32>
      %swap3A_39 = vector.shape_cast %broadcast_in_dim3A_34 : vector<16xf32> to vector<1x16xf32>
      tpu.vector_store %arg6[%swap3A_35, %swap3A_36], %swap3A_39 {strides = array<i32>} : memref<128x128xf32, #tpu.memory_space<vmem>>, vector<1x16xf32>,
      %broadcast_in_dim3A_40 = arith.constant 1.000000e+00 : f32
      %broadcast_in_dim3A_41 = vector.broadcast %broadcast_in_dim3A_40 : f32 to vector<16xf32>
      %swap3A_42 = arith.index_cast %add3A_20 : i32 to index
      %swap3A_43 = arith.constant 48 : index
      %swap3A_44 = tpu.vector_load %arg6[%swap3A_42, %swap3A_43] {strides = array<i32>} : memref<128x128xf32, #tpu.memory_space<vmem>>, vector<1x16xf32>,
      %swap3A_45 = vector.shape_cast %swap3A_44 : vector<1x16xf32> to vector<16xf32>
      %swap3A_46 = vector.shape_cast %broadcast_in_dim3A_41 : vector<16xf32> to vector<1x16xf32>
      tpu.vector_store %arg6[%swap3A_42, %swap3A_43], %swap3A_46 {strides = array<i32>} : memref<128x128xf32, #tpu.memory_space<vmem>>, vector<1x16xf32>,
      %broadcast_in_dim3A_47 = arith.constant 1.000000e+00 : f32
      %broadcast_in_dim3A_48 = vector.broadcast %broadcast_in_dim3A_47 : f32 to vector<16xf32>
      %swap3A_49 = arith.index_cast %add3A_20 : i32 to index
      %swap3A_50 = arith.constant 64 : index
      %swap3A_51 = tpu.vector_load %arg6[%swap3A_49, %swap3A_50] {strides = array<i32>} : memref<128x128xf32, #tpu.memory_space<vmem>>, vector<1x16xf32>,
      %swap3A_52 = vector.shape_cast %swap3A_51 : vector<1x16xf32> to vector<16xf32>
      %swap3A_53 = vector.shape_cast %broadcast_in_dim3A_48 : vector<16xf32> to vector<1x16xf32>
      tpu.vector_store %arg6[%swap3A_49, %swap3A_50], %swap3A_53 {strides = array<i32>} : memref<128x128xf32, #tpu.memory_space<vmem>>, vector<1x16xf32>,
      %broadcast_in_dim3A_54 = arith.constant 1.000000e+00 : f32
      %broadcast_in_dim3A_55 = vector.broadcast %broadcast_in_dim3A_54 : f32 to vector<16xf32>
      %swap3A_56 = arith.index_cast %add3A_20 : i32 to index
      %swap3A_57 = arith.constant 80 : index
      %swap3A_58 = tpu.vector_load %arg6[%swap3A_56, %swap3A_57] {strides = array<i32>} : memref<128x128xf32, #tpu.memory_space<vmem>>, vector<1x16xf32>,
      %swap3A_59 = vector.shape_cast %swap3A_58 : vector<1x16xf32> to vector<16xf32>
      %swap3A_60 = vector.shape_cast %broadcast_in_dim3A_55 : vector<16xf32> to vector<1x16xf32>
      tpu.vector_store %arg6[%swap3A_56, %swap3A_57], %swap3A_60 {strides = array<i32>} : memref<128x128xf32, #tpu.memory_space<vmem>>, vector<1x16xf32>,
      %broadcast_in_dim3A_61 = arith.constant 1.000000e+00 : f32
      %broadcast_in_dim3A_62 = vector.broadcast %broadcast_in_dim3A_61 : f32 to vector<16xf32>
      %swap3A_63 = arith.index_cast %add3A_20 : i32 to index
      %swap3A_64 = arith.constant 96 : index
      %swap3A_65 = tpu.vector_load %arg6[%swap3A_63, %swap3A_64] {strides = array<i32>} : memref<128x128xf32, #tpu.memory_space<vmem>>, vector<1x16xf32>,
      %swap3A_66 = vector.shape_cast %swap3A_65 : vector<1x16xf32> to vector<16xf32>
      %swap3A_67 = vector.shape_cast %broadcast_in_dim3A_62 : vector<16xf32> to vector<1x16xf32>
      tpu.vector_store %arg6[%swap3A_63, %swap3A_64], %swap3A_67 {strides = array<i32>} : memref<128x128xf32, #tpu.memory_space<vmem>>, vector<1x16xf32>,
      %broadcast_in_dim3A_68 = arith.constant 1.000000e+00 : f32
      %broadcast_in_dim3A_69 = vector.broadcast %broadcast_in_dim3A_68 : f32 to vector<16xf32>
      %swap3A_70 = arith.index_cast %add3A_20 : i32 to index
      %swap3A_71 = arith.constant 112 : index
      %swap3A_72 = tpu.vector_load %arg6[%swap3A_70, %swap3A_71] {strides = array<i32>} : memref<128x128xf32, #tpu.memory_space<vmem>>, vector<1x16xf32>,
      %swap3A_73 = vector.shape_cast %swap3A_72 : vector<1x16xf32> to vector<16xf32>
      %swap3A_74 = vector.shape_cast %broadcast_in_dim3A_69 : vector<16xf32> to vector<1x16xf32>
      tpu.vector_store %arg6[%swap3A_70, %swap3A_71], %swap3A_74 {strides = array<i32>} : memref<128x128xf32, #tpu.memory_space<vmem>>, vector<1x16xf32>,
    }
    %scan3A_9 = arith.constant 128 : i32
    "tpu.region"() ({
      %run_scoped3A = tpu.sem_alloc : memref<!tpu.dma_semaphore, #tpu.memory_space<semaphore_mem>>
      %dma_start3A = arith.constant 0 : i32
      %dma_start3A_16 = tpu.memref_slice %arg7[%multiple_of3A, %dma_start3A] : memref<10240x128xf32, #tpu.memory_space<vmem_shared>> -> memref<640x128xf32, #tpu.memory_space<vmem_shared>>
      tpu.enqueue_dma source(%arg3 : memref<640x128xf32, #tpu.memory_space<hbm>>) target(%dma_start3A_16 : memref<640x128xf32, #tpu.memory_space<vmem_shared>>) target_semaphore(%run_scoped3A : memref<!tpu.dma_semaphore, #tpu.memory_space<semaphore_mem>>)
      %dma_wait3A = arith.constant 0 : i32
      %dma_wait3A_17 = tpu.memref_slice %arg7[%multiple_of3A, %dma_wait3A] : memref<10240x128xf32, #tpu.memory_space<vmem_shared>> -> memref<640x128xf32, #tpu.memory_space<vmem_shared>>
      tpu.wait_dma2 semaphore(%run_scoped3A : memref<!tpu.dma_semaphore, #tpu.memory_space<semaphore_mem>>) src(%arg3 : memref<640x128xf32, #tpu.memory_space<hbm>>) dst(%dma_wait3A_17 : memref<640x128xf32, #tpu.memory_space<vmem_shared>>)
      tpu.yield
    }) : () -> ()
    "tpu.region"() ({
      %run_scoped3A = tpu.sem_alloc : memref<!tpu.dma_semaphore, #tpu.memory_space<semaphore_mem>>
      %dma_start3A = arith.constant 0 : i32
      %dma_start3A_16 = tpu.memref_slice %arg2[%multiple_of3A_5, %dma_start3A] : memref<1280x128xi32, #tpu.memory_space<hbm>> -> memref<40x128xi32, #tpu.memory_space<hbm>>
      %dma_start3A_17 = arith.constant 0 : i32
      %dma_start3A_18 = tpu.memref_slice %arg2[%multiple_of3A_5, %dma_start3A_17] : memref<1280x128xi32, #tpu.memory_space<hbm>> -> memref<40x128xi32, #tpu.memory_space<hbm>>
      tpu.enqueue_dma source(%dma_start3A_18 : memref<40x128xi32, #tpu.memory_space<hbm>>) target(%arg5 : memref<40x128xi32, #tpu.memory_space<vmem>>) target_semaphore(%run_scoped3A : memref<!tpu.dma_semaphore, #tpu.memory_space<semaphore_mem>>)
      %dma_wait3A = arith.constant 0 : i32
      %dma_wait3A_19 = tpu.memref_slice %arg2[%multiple_of3A_5, %dma_wait3A] : memref<1280x128xi32, #tpu.memory_space<hbm>> -> memref<40x128xi32, #tpu.memory_space<hbm>>
      %dma_wait3A_20 = arith.constant 0 : i32
      %dma_wait3A_21 = tpu.memref_slice %arg2[%multiple_of3A_5, %dma_wait3A_20] : memref<1280x128xi32, #tpu.memory_space<hbm>> -> memref<40x128xi32, #tpu.memory_space<hbm>>
      tpu.wait_dma2 semaphore(%run_scoped3A : memref<!tpu.dma_semaphore, #tpu.memory_space<semaphore_mem>>) src(%dma_wait3A_21 : memref<40x128xi32, #tpu.memory_space<hbm>>) dst(%arg5 : memref<40x128xi32, #tpu.memory_space<vmem>>)
      tpu.yield
    }) : () -> ()
    %barrier3A = arith.constant 0 : index
    tpu.barrier barrier_id(%barrier3A)
    %scan3A_10 = arith.constant 0 : i32
    %scan3A_11 = arith.constant 40 : i32
    %scan3A_12 = arith.addi %scan3A_10, %scan3A_11 : i32
    %scan3A_13 = arith.constant 1 : i32
    scf.for %scan3A_16 = %scan3A_10 to %scan3A_12 step %scan3A_13  : i32 {
      %mul3A_17 = arith.constant 1 : i32
      %mul3A_18 = arith.muli %scan3A_16, %mul3A_17 : i32
      %add3A_19 = arith.constant 0 : i32
      %add3A_20 = arith.addi %add3A_19, %mul3A_18 : i32
      "tpu.region"() ({
        %run_scoped3A = tpu.sem_alloc : memref<!tpu.dma_semaphore, #tpu.memory_space<semaphore_mem>>
        %dma_start3A = arith.constant 0 : i32
        %dma_start3A_21 = tpu.memref_slice %arg5[%add3A_20, %dma_start3A] : memref<40x128xi32, #tpu.memory_space<vmem>> -> memref<1x128xi32, #tpu.memory_space<vmem>>
        %dma_start3A_22 = tpu.memref_squeeze %dma_start3A_21 : memref<1x128xi32, #tpu.memory_space<vmem>> -> memref<128xi32, #tpu.memory_space<vmem>>
        %dma_start3A_23 = arith.constant 0 : i32
        %dma_start3A_24 = arith.constant 0 : i32
        %dma_start3A_25 = tpu.memref_slice %arg7[%dma_start3A_23, %dma_start3A_24] : memref<10240x128xf32, #tpu.memory_space<vmem_shared>> -> memref<10240x128xf32, #tpu.memory_space<vmem_shared>>
        tpu.enqueue_indirect_dma source(%arg6 : memref<128x128xf32, #tpu.memory_space<vmem>>) target(%dma_start3A_25 : memref<10240x128xf32, #tpu.memory_space<vmem_shared>>) offsets(%dma_start3A_22 : memref<128xi32, #tpu.memory_space<vmem>>) semaphore(%run_scoped3A : memref<!tpu.dma_semaphore, #tpu.memory_space<semaphore_mem>>) {add = true}
        %dma_wait3A = arith.constant 0 : i32
        %dma_wait3A_26 = tpu.memref_slice %arg5[%add3A_20, %dma_wait3A] : memref<40x128xi32, #tpu.memory_space<vmem>> -> memref<1x128xi32, #tpu.memory_space<vmem>>
        %dma_wait3A_27 = tpu.memref_squeeze %dma_wait3A_26 : memref<1x128xi32, #tpu.memory_space<vmem>> -> memref<128xi32, #tpu.memory_space<vmem>>
        %dma_wait3A_28 = arith.constant 0 : i32
        %dma_wait3A_29 = arith.constant 0 : i32
        %dma_wait3A_30 = tpu.memref_slice %arg7[%dma_wait3A_28, %dma_wait3A_29] : memref<10240x128xf32, #tpu.memory_space<vmem_shared>> -> memref<10240x128xf32, #tpu.memory_space<vmem_shared>>
        tpu.wait_indirect_dma semaphore(%run_scoped3A : memref<!tpu.dma_semaphore, #tpu.memory_space<semaphore_mem>>) src(%arg6 : memref<128x128xf32, #tpu.memory_space<vmem>>) dst(%dma_wait3A_30 : memref<10240x128xf32, #tpu.memory_space<vmem_shared>>)
        tpu.yield
      }) : () -> ()
    }
    %scan3A_14 = arith.constant 40 : i32
    %barrier3A_15 = arith.constant 0 : index
    tpu.barrier barrier_id(%barrier3A_15)
    "tpu.region"() ({
      %run_scoped3A = tpu.sem_alloc : memref<!tpu.dma_semaphore, #tpu.memory_space<semaphore_mem>>
      %dma_start3A = arith.constant 0 : i32
      %dma_start3A_16 = arith.constant 0 : i32
      %dma_start3A_17 = tpu.memref_slice %arg4[%arg0, %dma_start3A, %dma_start3A_16] : memref<2x10240x128xf32, #tpu.memory_space<hbm>> -> memref<1x10240x128xf32, #tpu.memory_space<hbm>>
      %dma_start3A_18 = tpu.memref_squeeze %dma_start3A_17 : memref<1x10240x128xf32, #tpu.memory_space<hbm>> -> memref<10240x128xf32, #tpu.memory_space<hbm>>
      %dma_start3A_19 = arith.constant 0 : i32
      %dma_start3A_20 = tpu.memref_slice %dma_start3A_18[%multiple_of3A, %dma_start3A_19] : memref<10240x128xf32, #tpu.memory_space<hbm>> -> memref<640x128xf32, #tpu.memory_space<hbm>>
      %dma_start3A_21 = arith.constant 0 : i32
      %dma_start3A_22 = tpu.memref_slice %arg7[%multiple_of3A, %dma_start3A_21] : memref<10240x128xf32, #tpu.memory_space<vmem_shared>> -> memref<640x128xf32, #tpu.memory_space<vmem_shared>>
      tpu.enqueue_dma source(%dma_start3A_22 : memref<640x128xf32, #tpu.memory_space<vmem_shared>>) target(%dma_start3A_20 : memref<640x128xf32, #tpu.memory_space<hbm>>) target_semaphore(%run_scoped3A : memref<!tpu.dma_semaphore, #tpu.memory_space<semaphore_mem>>)
      %dma_wait3A = arith.constant 0 : i32
      %dma_wait3A_23 = arith.constant 0 : i32
      %dma_wait3A_24 = tpu.memref_slice %arg4[%arg0, %dma_wait3A, %dma_wait3A_23] : memref<2x10240x128xf32, #tpu.memory_space<hbm>> -> memref<1x10240x128xf32, #tpu.memory_space<hbm>>
      %dma_wait3A_25 = tpu.memref_squeeze %dma_wait3A_24 : memref<1x10240x128xf32, #tpu.memory_space<hbm>> -> memref<10240x128xf32, #tpu.memory_space<hbm>>
      %dma_wait3A_26 = arith.constant 0 : i32
      %dma_wait3A_27 = tpu.memref_slice %dma_wait3A_25[%multiple_of3A, %dma_wait3A_26] : memref<10240x128xf32, #tpu.memory_space<hbm>> -> memref<640x128xf32, #tpu.memory_space<hbm>>
      %dma_wait3A_28 = arith.constant 0 : i32
      %dma_wait3A_29 = tpu.memref_slice %arg7[%multiple_of3A, %dma_wait3A_28] : memref<10240x128xf32, #tpu.memory_space<vmem_shared>> -> memref<640x128xf32, #tpu.memory_space<vmem_shared>>
      tpu.wait_dma2 semaphore(%run_scoped3A : memref<!tpu.dma_semaphore, #tpu.memory_space<semaphore_mem>>) src(%dma_wait3A_29 : memref<640x128xf32, #tpu.memory_space<vmem_shared>>) dst(%dma_wait3A_27 : memref<640x128xf32, #tpu.memory_space<hbm>>)
      tpu.yield
    }) : () -> ()
    return
  }
}

#map = affine_map<(d0, d1) -> (0, 0, 0)>
#map1 = affine_map<(d0, d1) -> (0, 0)>
module attributes {stable_mosaic.version = 14 : i64} {
  func.func @body(%arg0: i32, %arg1: i32, %arg2: memref<2x10240x128xf32, #tpu.memory_space<hbm>>, %arg3: memref<2560x64xi32, #tpu.memory_space<hbm>>, %arg4: memref<2560x64xi32, #tpu.memory_space<hbm>>, %arg5: memref<640x128xf32, #tpu.memory_space<hbm>>, %arg6: memref<2x10240x128xf32, #tpu.memory_space<hbm>>, %arg7: memref<40x64xi32, #tpu.memory_space<vmem>>, %arg8: memref<40x64xi32, #tpu.memory_space<vmem>>, %arg9: memref<64x128xf32, #tpu.memory_space<vmem>>, %arg10: memref<64x128xf32, #tpu.memory_space<vmem>>, %arg11: memref<64x128xf32, #tpu.memory_space<vmem>>, %arg12: memref<64x128xf32, #tpu.memory_space<vmem>>, %arg13: memref<10240x128xf32, #tpu.memory_space<vmem_shared>>, %arg14: memref<!tpu.dma_semaphore, #tpu.memory_space<semaphore_mem>>, %arg15: memref<!tpu.dma_semaphore, #tpu.memory_space<semaphore_mem>>, %arg16: memref<!tpu.dma_semaphore, #tpu.memory_space<semaphore_mem>>, %arg17: memref<!tpu.dma_semaphore, #tpu.memory_space<semaphore_mem>>) attributes {dimension_semantics = [#tpu.dimension_semantics<core_parallel>, #tpu.dimension_semantics<subcore_parallel>], iteration_bounds = array<i64: 2, 16>, scalar_prefetch = 0 : i64, scratch_operands = 11 : i64, tpu.core_type = #tpu.core_type<sc_vector_subcore>, window_params = [{transform_indices = #map}, {transform_indices = #map1}, {transform_indices = #map1}, {transform_indices = #map1}, {transform_indices = #map}]} {
    %mul3A = arith.constant 640 : i32
    %mul3A_0 = arith.muli %arg1, %mul3A : i32
    %multiple_of3A = tpu.assume_multiple %mul3A_0, 8 : i32
    "tpu.region"() ({
      %run_scoped3A = tpu.sem_alloc : memref<!tpu.dma_semaphore, #tpu.memory_space<semaphore_mem>>
      %dma_start3A = arith.constant 0 : i32
      %dma_start3A_10 = tpu.memref_slice %arg13[%multiple_of3A, %dma_start3A] : memref<10240x128xf32, #tpu.memory_space<vmem_shared>> -> memref<640x128xf32, #tpu.memory_space<vmem_shared>>
      tpu.enqueue_dma source(%arg5 : memref<640x128xf32, #tpu.memory_space<hbm>>) target(%dma_start3A_10 : memref<640x128xf32, #tpu.memory_space<vmem_shared>>) target_semaphore(%run_scoped3A : memref<!tpu.dma_semaphore, #tpu.memory_space<semaphore_mem>>)
      %dma_wait3A = arith.constant 0 : i32
      %dma_wait3A_11 = tpu.memref_slice %arg13[%multiple_of3A, %dma_wait3A] : memref<10240x128xf32, #tpu.memory_space<vmem_shared>> -> memref<640x128xf32, #tpu.memory_space<vmem_shared>>
      tpu.wait_dma2 semaphore(%run_scoped3A : memref<!tpu.dma_semaphore, #tpu.memory_space<semaphore_mem>>) src(%arg5 : memref<640x128xf32, #tpu.memory_space<hbm>>) dst(%dma_wait3A_11 : memref<640x128xf32, #tpu.memory_space<vmem_shared>>)
      tpu.yield
    }) : () -> ()
    %barrier3A = arith.constant 0 : index
    tpu.barrier barrier_id(%barrier3A)
    %mul3A_1 = arith.constant 160 : i32
    %mul3A_2 = arith.muli %arg1, %mul3A_1 : i32
    %add3A = arith.constant 0 : i32
    %add3A_3 = arith.addi %add3A, %mul3A_2 : i32
    %multiple_of3A_4 = tpu.assume_multiple %add3A_3, 8 : i32
    %scan3A = arith.constant 0 : i32
    %scan3A_5 = arith.constant 4 : i32
    %scan3A_6 = arith.addi %scan3A, %scan3A_5 : i32
    %scan3A_7 = arith.constant 1 : i32
    scf.for %scan3A_10 = %scan3A to %scan3A_6 step %scan3A_7  : i32 {
      %mul3A_11 = arith.constant 1 : i32
      %mul3A_12 = arith.muli %scan3A_10, %mul3A_11 : i32
      %add3A_13 = arith.constant 0 : i32
      %add3A_14 = arith.addi %add3A_13, %mul3A_12 : i32
      %mul3A_15 = arith.constant 40 : i32
      %mul3A_16 = arith.muli %add3A_14, %mul3A_15 : i32
      %add3A_17 = arith.addi %multiple_of3A_4, %mul3A_16 : i32
      %multiple_of3A_18 = tpu.assume_multiple %add3A_17, 8 : i32
      "tpu.region"() ({
        %run_scoped3A = tpu.sem_alloc : memref<!tpu.dma_semaphore, #tpu.memory_space<semaphore_mem>>
        %dma_start3A = arith.constant 0 : i32
        %dma_start3A_24 = tpu.memref_slice %arg3[%multiple_of3A_18, %dma_start3A] : memref<2560x64xi32, #tpu.memory_space<hbm>> -> memref<40x64xi32, #tpu.memory_space<hbm>>
        %dma_start3A_25 = arith.constant 0 : i32
        %dma_start3A_26 = tpu.memref_slice %arg3[%multiple_of3A_18, %dma_start3A_25] : memref<2560x64xi32, #tpu.memory_space<hbm>> -> memref<40x64xi32, #tpu.memory_space<hbm>>
        tpu.enqueue_dma source(%dma_start3A_26 : memref<40x64xi32, #tpu.memory_space<hbm>>) target(%arg7 : memref<40x64xi32, #tpu.memory_space<vmem>>) target_semaphore(%run_scoped3A : memref<!tpu.dma_semaphore, #tpu.memory_space<semaphore_mem>>)
        %dma_wait3A = arith.constant 0 : i32
        %dma_wait3A_27 = tpu.memref_slice %arg3[%multiple_of3A_18, %dma_wait3A] : memref<2560x64xi32, #tpu.memory_space<hbm>> -> memref<40x64xi32, #tpu.memory_space<hbm>>
        %dma_wait3A_28 = arith.constant 0 : i32
        %dma_wait3A_29 = tpu.memref_slice %arg3[%multiple_of3A_18, %dma_wait3A_28] : memref<2560x64xi32, #tpu.memory_space<hbm>> -> memref<40x64xi32, #tpu.memory_space<hbm>>
        tpu.wait_dma2 semaphore(%run_scoped3A : memref<!tpu.dma_semaphore, #tpu.memory_space<semaphore_mem>>) src(%dma_wait3A_29 : memref<40x64xi32, #tpu.memory_space<hbm>>) dst(%arg7 : memref<40x64xi32, #tpu.memory_space<vmem>>)
        tpu.yield
      }) : () -> ()
      "tpu.region"() ({
        %run_scoped3A = tpu.sem_alloc : memref<!tpu.dma_semaphore, #tpu.memory_space<semaphore_mem>>
        %dma_start3A = arith.constant 0 : i32
        %dma_start3A_24 = tpu.memref_slice %arg4[%multiple_of3A_18, %dma_start3A] : memref<2560x64xi32, #tpu.memory_space<hbm>> -> memref<40x64xi32, #tpu.memory_space<hbm>>
        %dma_start3A_25 = arith.constant 0 : i32
        %dma_start3A_26 = tpu.memref_slice %arg4[%multiple_of3A_18, %dma_start3A_25] : memref<2560x64xi32, #tpu.memory_space<hbm>> -> memref<40x64xi32, #tpu.memory_space<hbm>>
        tpu.enqueue_dma source(%dma_start3A_26 : memref<40x64xi32, #tpu.memory_space<hbm>>) target(%arg8 : memref<40x64xi32, #tpu.memory_space<vmem>>) target_semaphore(%run_scoped3A : memref<!tpu.dma_semaphore, #tpu.memory_space<semaphore_mem>>)
        %dma_wait3A = arith.constant 0 : i32
        %dma_wait3A_27 = tpu.memref_slice %arg4[%multiple_of3A_18, %dma_wait3A] : memref<2560x64xi32, #tpu.memory_space<hbm>> -> memref<40x64xi32, #tpu.memory_space<hbm>>
        %dma_wait3A_28 = arith.constant 0 : i32
        %dma_wait3A_29 = tpu.memref_slice %arg4[%multiple_of3A_18, %dma_wait3A_28] : memref<2560x64xi32, #tpu.memory_space<hbm>> -> memref<40x64xi32, #tpu.memory_space<hbm>>
        tpu.wait_dma2 semaphore(%run_scoped3A : memref<!tpu.dma_semaphore, #tpu.memory_space<semaphore_mem>>) src(%dma_wait3A_29 : memref<40x64xi32, #tpu.memory_space<hbm>>) dst(%arg8 : memref<40x64xi32, #tpu.memory_space<vmem>>)
        tpu.yield
      }) : () -> ()
      %scan3A_19 = arith.constant 0 : i32
      %scan3A_20 = arith.constant 10 : i32
      %scan3A_21 = arith.addi %scan3A_19, %scan3A_20 : i32
      %scan3A_22 = arith.constant 1 : i32
      scf.for %scan3A_24 = %scan3A_19 to %scan3A_21 step %scan3A_22  : i32 {
        %mul3A_25 = arith.constant 4 : i32
        %mul3A_26 = arith.muli %scan3A_24, %mul3A_25 : i32
        %add3A_27 = arith.constant 0 : i32
        %add3A_28 = arith.addi %add3A_27, %mul3A_26 : i32
        %add3A_29 = arith.constant 0 : i32
        %add3A_30 = arith.addi %add3A_28, %add3A_29 : i32
        %dma_start3A = arith.constant 0 : i32
        %dma_start3A_31 = tpu.memref_slice %arg7[%add3A_30, %dma_start3A] : memref<40x64xi32, #tpu.memory_space<vmem>> -> memref<1x64xi32, #tpu.memory_space<vmem>>
        %dma_start3A_32 = tpu.memref_squeeze %dma_start3A_31 : memref<1x64xi32, #tpu.memory_space<vmem>> -> memref<64xi32, #tpu.memory_space<vmem>>
        %dma_start3A_33 = arith.constant 0 : i32
        %dma_start3A_34 = arith.constant 0 : i32
        %dma_start3A_35 = tpu.memref_slice %arg2[%arg0, %dma_start3A_33, %dma_start3A_34] : memref<2x10240x128xf32, #tpu.memory_space<hbm>> -> memref<1x10240x128xf32, #tpu.memory_space<hbm>>
        %dma_start3A_36 = tpu.memref_squeeze %dma_start3A_35 : memref<1x10240x128xf32, #tpu.memory_space<hbm>> -> memref<10240x128xf32, #tpu.memory_space<hbm>>
        %dma_start3A_37 = arith.constant 0 : i32
        %dma_start3A_38 = arith.constant 0 : i32
        %dma_start3A_39 = tpu.memref_slice %dma_start3A_36[%dma_start3A_37, %dma_start3A_38] : memref<10240x128xf32, #tpu.memory_space<hbm>> -> memref<10240x128xf32, #tpu.memory_space<hbm>>
        tpu.enqueue_indirect_dma source(%dma_start3A_39 : memref<10240x128xf32, #tpu.memory_space<hbm>>) target(%arg9 : memref<64x128xf32, #tpu.memory_space<vmem>>) offsets(%dma_start3A_32 : memref<64xi32, #tpu.memory_space<vmem>>) semaphore(%arg14 : memref<!tpu.dma_semaphore, #tpu.memory_space<semaphore_mem>>)
        %add3A_40 = arith.constant 1 : i32
        %add3A_41 = arith.addi %add3A_28, %add3A_40 : i32
        %dma_start3A_42 = arith.constant 0 : i32
        %dma_start3A_43 = tpu.memref_slice %arg7[%add3A_41, %dma_start3A_42] : memref<40x64xi32, #tpu.memory_space<vmem>> -> memref<1x64xi32, #tpu.memory_space<vmem>>
        %dma_start3A_44 = tpu.memref_squeeze %dma_start3A_43 : memref<1x64xi32, #tpu.memory_space<vmem>> -> memref<64xi32, #tpu.memory_space<vmem>>
        %dma_start3A_45 = arith.constant 0 : i32
        %dma_start3A_46 = arith.constant 0 : i32
        %dma_start3A_47 = tpu.memref_slice %arg2[%arg0, %dma_start3A_45, %dma_start3A_46] : memref<2x10240x128xf32, #tpu.memory_space<hbm>> -> memref<1x10240x128xf32, #tpu.memory_space<hbm>>
        %dma_start3A_48 = tpu.memref_squeeze %dma_start3A_47 : memref<1x10240x128xf32, #tpu.memory_space<hbm>> -> memref<10240x128xf32, #tpu.memory_space<hbm>>
        %dma_start3A_49 = arith.constant 0 : i32
        %dma_start3A_50 = arith.constant 0 : i32
        %dma_start3A_51 = tpu.memref_slice %dma_start3A_48[%dma_start3A_49, %dma_start3A_50] : memref<10240x128xf32, #tpu.memory_space<hbm>> -> memref<10240x128xf32, #tpu.memory_space<hbm>>
        tpu.enqueue_indirect_dma source(%dma_start3A_51 : memref<10240x128xf32, #tpu.memory_space<hbm>>) target(%arg10 : memref<64x128xf32, #tpu.memory_space<vmem>>) offsets(%dma_start3A_44 : memref<64xi32, #tpu.memory_space<vmem>>) semaphore(%arg15 : memref<!tpu.dma_semaphore, #tpu.memory_space<semaphore_mem>>)
        %add3A_52 = arith.constant 2 : i32
        %add3A_53 = arith.addi %add3A_28, %add3A_52 : i32
        %dma_start3A_54 = arith.constant 0 : i32
        %dma_start3A_55 = tpu.memref_slice %arg7[%add3A_53, %dma_start3A_54] : memref<40x64xi32, #tpu.memory_space<vmem>> -> memref<1x64xi32, #tpu.memory_space<vmem>>
        %dma_start3A_56 = tpu.memref_squeeze %dma_start3A_55 : memref<1x64xi32, #tpu.memory_space<vmem>> -> memref<64xi32, #tpu.memory_space<vmem>>
        %dma_start3A_57 = arith.constant 0 : i32
        %dma_start3A_58 = arith.constant 0 : i32
        %dma_start3A_59 = tpu.memref_slice %arg2[%arg0, %dma_start3A_57, %dma_start3A_58] : memref<2x10240x128xf32, #tpu.memory_space<hbm>> -> memref<1x10240x128xf32, #tpu.memory_space<hbm>>
        %dma_start3A_60 = tpu.memref_squeeze %dma_start3A_59 : memref<1x10240x128xf32, #tpu.memory_space<hbm>> -> memref<10240x128xf32, #tpu.memory_space<hbm>>
        %dma_start3A_61 = arith.constant 0 : i32
        %dma_start3A_62 = arith.constant 0 : i32
        %dma_start3A_63 = tpu.memref_slice %dma_start3A_60[%dma_start3A_61, %dma_start3A_62] : memref<10240x128xf32, #tpu.memory_space<hbm>> -> memref<10240x128xf32, #tpu.memory_space<hbm>>
        tpu.enqueue_indirect_dma source(%dma_start3A_63 : memref<10240x128xf32, #tpu.memory_space<hbm>>) target(%arg11 : memref<64x128xf32, #tpu.memory_space<vmem>>) offsets(%dma_start3A_56 : memref<64xi32, #tpu.memory_space<vmem>>) semaphore(%arg16 : memref<!tpu.dma_semaphore, #tpu.memory_space<semaphore_mem>>)
        %add3A_64 = arith.constant 3 : i32
        %add3A_65 = arith.addi %add3A_28, %add3A_64 : i32
        %dma_start3A_66 = arith.constant 0 : i32
        %dma_start3A_67 = tpu.memref_slice %arg7[%add3A_65, %dma_start3A_66] : memref<40x64xi32, #tpu.memory_space<vmem>> -> memref<1x64xi32, #tpu.memory_space<vmem>>
        %dma_start3A_68 = tpu.memref_squeeze %dma_start3A_67 : memref<1x64xi32, #tpu.memory_space<vmem>> -> memref<64xi32, #tpu.memory_space<vmem>>
        %dma_start3A_69 = arith.constant 0 : i32
        %dma_start3A_70 = arith.constant 0 : i32
        %dma_start3A_71 = tpu.memref_slice %arg2[%arg0, %dma_start3A_69, %dma_start3A_70] : memref<2x10240x128xf32, #tpu.memory_space<hbm>> -> memref<1x10240x128xf32, #tpu.memory_space<hbm>>
        %dma_start3A_72 = tpu.memref_squeeze %dma_start3A_71 : memref<1x10240x128xf32, #tpu.memory_space<hbm>> -> memref<10240x128xf32, #tpu.memory_space<hbm>>
        %dma_start3A_73 = arith.constant 0 : i32
        %dma_start3A_74 = arith.constant 0 : i32
        %dma_start3A_75 = tpu.memref_slice %dma_start3A_72[%dma_start3A_73, %dma_start3A_74] : memref<10240x128xf32, #tpu.memory_space<hbm>> -> memref<10240x128xf32, #tpu.memory_space<hbm>>
        tpu.enqueue_indirect_dma source(%dma_start3A_75 : memref<10240x128xf32, #tpu.memory_space<hbm>>) target(%arg12 : memref<64x128xf32, #tpu.memory_space<vmem>>) offsets(%dma_start3A_68 : memref<64xi32, #tpu.memory_space<vmem>>) semaphore(%arg17 : memref<!tpu.dma_semaphore, #tpu.memory_space<semaphore_mem>>)
        %dma_wait3A = arith.constant 0 : i32
        %dma_wait3A_76 = tpu.memref_slice %arg7[%add3A_30, %dma_wait3A] : memref<40x64xi32, #tpu.memory_space<vmem>> -> memref<1x64xi32, #tpu.memory_space<vmem>>
        %dma_wait3A_77 = tpu.memref_squeeze %dma_wait3A_76 : memref<1x64xi32, #tpu.memory_space<vmem>> -> memref<64xi32, #tpu.memory_space<vmem>>
        %dma_wait3A_78 = arith.constant 0 : i32
        %dma_wait3A_79 = arith.constant 0 : i32
        %dma_wait3A_80 = tpu.memref_slice %arg2[%arg0, %dma_wait3A_78, %dma_wait3A_79] : memref<2x10240x128xf32, #tpu.memory_space<hbm>> -> memref<1x10240x128xf32, #tpu.memory_space<hbm>>
        %dma_wait3A_81 = tpu.memref_squeeze %dma_wait3A_80 : memref<1x10240x128xf32, #tpu.memory_space<hbm>> -> memref<10240x128xf32, #tpu.memory_space<hbm>>
        %dma_wait3A_82 = arith.constant 0 : i32
        %dma_wait3A_83 = arith.constant 0 : i32
        %dma_wait3A_84 = tpu.memref_slice %dma_wait3A_81[%dma_wait3A_82, %dma_wait3A_83] : memref<10240x128xf32, #tpu.memory_space<hbm>> -> memref<10240x128xf32, #tpu.memory_space<hbm>>
        tpu.wait_indirect_dma semaphore(%arg14 : memref<!tpu.dma_semaphore, #tpu.memory_space<semaphore_mem>>) src(%dma_wait3A_84 : memref<10240x128xf32, #tpu.memory_space<hbm>>) dst(%arg9 : memref<64x128xf32, #tpu.memory_space<vmem>>)
        %add3A_85 = arith.constant 0 : i32
        %add3A_86 = arith.addi %add3A_28, %add3A_85 : i32
        "tpu.region"() ({
          %run_scoped3A = tpu.sem_alloc : memref<!tpu.dma_semaphore, #tpu.memory_space<semaphore_mem>>
          %dma_start3A_123 = arith.constant 0 : i32
          %dma_start3A_124 = tpu.memref_slice %arg8[%add3A_86, %dma_start3A_123] : memref<40x64xi32, #tpu.memory_space<vmem>> -> memref<1x64xi32, #tpu.memory_space<vmem>>
          %dma_start3A_125 = tpu.memref_squeeze %dma_start3A_124 : memref<1x64xi32, #tpu.memory_space<vmem>> -> memref<64xi32, #tpu.memory_space<vmem>>
          %dma_start3A_126 = arith.constant 0 : i32
          %dma_start3A_127 = arith.constant 0 : i32
          %dma_start3A_128 = tpu.memref_slice %arg13[%dma_start3A_126, %dma_start3A_127] : memref<10240x128xf32, #tpu.memory_space<vmem_shared>> -> memref<10240x128xf32, #tpu.memory_space<vmem_shared>>
          tpu.enqueue_indirect_dma source(%arg9 : memref<64x128xf32, #tpu.memory_space<vmem>>) target(%dma_start3A_128 : memref<10240x128xf32, #tpu.memory_space<vmem_shared>>) offsets(%dma_start3A_125 : memref<64xi32, #tpu.memory_space<vmem>>) semaphore(%run_scoped3A : memref<!tpu.dma_semaphore, #tpu.memory_space<semaphore_mem>>) {add = true}
          %dma_wait3A_129 = arith.constant 0 : i32
          %dma_wait3A_130 = tpu.memref_slice %arg8[%add3A_86, %dma_wait3A_129] : memref<40x64xi32, #tpu.memory_space<vmem>> -> memref<1x64xi32, #tpu.memory_space<vmem>>
          %dma_wait3A_131 = tpu.memref_squeeze %dma_wait3A_130 : memref<1x64xi32, #tpu.memory_space<vmem>> -> memref<64xi32, #tpu.memory_space<vmem>>
          %dma_wait3A_132 = arith.constant 0 : i32
          %dma_wait3A_133 = arith.constant 0 : i32
          %dma_wait3A_134 = tpu.memref_slice %arg13[%dma_wait3A_132, %dma_wait3A_133] : memref<10240x128xf32, #tpu.memory_space<vmem_shared>> -> memref<10240x128xf32, #tpu.memory_space<vmem_shared>>
          tpu.wait_indirect_dma semaphore(%run_scoped3A : memref<!tpu.dma_semaphore, #tpu.memory_space<semaphore_mem>>) src(%arg9 : memref<64x128xf32, #tpu.memory_space<vmem>>) dst(%dma_wait3A_134 : memref<10240x128xf32, #tpu.memory_space<vmem_shared>>)
          tpu.yield
        }) : () -> ()
        %dma_wait3A_87 = arith.constant 0 : i32
        %dma_wait3A_88 = tpu.memref_slice %arg7[%add3A_41, %dma_wait3A_87] : memref<40x64xi32, #tpu.memory_space<vmem>> -> memref<1x64xi32, #tpu.memory_space<vmem>>
        %dma_wait3A_89 = tpu.memref_squeeze %dma_wait3A_88 : memref<1x64xi32, #tpu.memory_space<vmem>> -> memref<64xi32, #tpu.memory_space<vmem>>
        %dma_wait3A_90 = arith.constant 0 : i32
        %dma_wait3A_91 = arith.constant 0 : i32
        %dma_wait3A_92 = tpu.memref_slice %arg2[%arg0, %dma_wait3A_90, %dma_wait3A_91] : memref<2x10240x128xf32, #tpu.memory_space<hbm>> -> memref<1x10240x128xf32, #tpu.memory_space<hbm>>
        %dma_wait3A_93 = tpu.memref_squeeze %dma_wait3A_92 : memref<1x10240x128xf32, #tpu.memory_space<hbm>> -> memref<10240x128xf32, #tpu.memory_space<hbm>>
        %dma_wait3A_94 = arith.constant 0 : i32
        %dma_wait3A_95 = arith.constant 0 : i32
        %dma_wait3A_96 = tpu.memref_slice %dma_wait3A_93[%dma_wait3A_94, %dma_wait3A_95] : memref<10240x128xf32, #tpu.memory_space<hbm>> -> memref<10240x128xf32, #tpu.memory_space<hbm>>
        tpu.wait_indirect_dma semaphore(%arg15 : memref<!tpu.dma_semaphore, #tpu.memory_space<semaphore_mem>>) src(%dma_wait3A_96 : memref<10240x128xf32, #tpu.memory_space<hbm>>) dst(%arg10 : memref<64x128xf32, #tpu.memory_space<vmem>>)
        %add3A_97 = arith.constant 1 : i32
        %add3A_98 = arith.addi %add3A_28, %add3A_97 : i32
        "tpu.region"() ({
          %run_scoped3A = tpu.sem_alloc : memref<!tpu.dma_semaphore, #tpu.memory_space<semaphore_mem>>
          %dma_start3A_123 = arith.constant 0 : i32
          %dma_start3A_124 = tpu.memref_slice %arg8[%add3A_98, %dma_start3A_123] : memref<40x64xi32, #tpu.memory_space<vmem>> -> memref<1x64xi32, #tpu.memory_space<vmem>>
          %dma_start3A_125 = tpu.memref_squeeze %dma_start3A_124 : memref<1x64xi32, #tpu.memory_space<vmem>> -> memref<64xi32, #tpu.memory_space<vmem>>
          %dma_start3A_126 = arith.constant 0 : i32
          %dma_start3A_127 = arith.constant 0 : i32
          %dma_start3A_128 = tpu.memref_slice %arg13[%dma_start3A_126, %dma_start3A_127] : memref<10240x128xf32, #tpu.memory_space<vmem_shared>> -> memref<10240x128xf32, #tpu.memory_space<vmem_shared>>
          tpu.enqueue_indirect_dma source(%arg10 : memref<64x128xf32, #tpu.memory_space<vmem>>) target(%dma_start3A_128 : memref<10240x128xf32, #tpu.memory_space<vmem_shared>>) offsets(%dma_start3A_125 : memref<64xi32, #tpu.memory_space<vmem>>) semaphore(%run_scoped3A : memref<!tpu.dma_semaphore, #tpu.memory_space<semaphore_mem>>) {add = true}
          %dma_wait3A_129 = arith.constant 0 : i32
          %dma_wait3A_130 = tpu.memref_slice %arg8[%add3A_98, %dma_wait3A_129] : memref<40x64xi32, #tpu.memory_space<vmem>> -> memref<1x64xi32, #tpu.memory_space<vmem>>
          %dma_wait3A_131 = tpu.memref_squeeze %dma_wait3A_130 : memref<1x64xi32, #tpu.memory_space<vmem>> -> memref<64xi32, #tpu.memory_space<vmem>>
          %dma_wait3A_132 = arith.constant 0 : i32
          %dma_wait3A_133 = arith.constant 0 : i32
          %dma_wait3A_134 = tpu.memref_slice %arg13[%dma_wait3A_132, %dma_wait3A_133] : memref<10240x128xf32, #tpu.memory_space<vmem_shared>> -> memref<10240x128xf32, #tpu.memory_space<vmem_shared>>
          tpu.wait_indirect_dma semaphore(%run_scoped3A : memref<!tpu.dma_semaphore, #tpu.memory_space<semaphore_mem>>) src(%arg10 : memref<64x128xf32, #tpu.memory_space<vmem>>) dst(%dma_wait3A_134 : memref<10240x128xf32, #tpu.memory_space<vmem_shared>>)
          tpu.yield
        }) : () -> ()
        %dma_wait3A_99 = arith.constant 0 : i32
        %dma_wait3A_100 = tpu.memref_slice %arg7[%add3A_53, %dma_wait3A_99] : memref<40x64xi32, #tpu.memory_space<vmem>> -> memref<1x64xi32, #tpu.memory_space<vmem>>
        %dma_wait3A_101 = tpu.memref_squeeze %dma_wait3A_100 : memref<1x64xi32, #tpu.memory_space<vmem>> -> memref<64xi32, #tpu.memory_space<vmem>>
        %dma_wait3A_102 = arith.constant 0 : i32
        %dma_wait3A_103 = arith.constant 0 : i32
        %dma_wait3A_104 = tpu.memref_slice %arg2[%arg0, %dma_wait3A_102, %dma_wait3A_103] : memref<2x10240x128xf32, #tpu.memory_space<hbm>> -> memref<1x10240x128xf32, #tpu.memory_space<hbm>>
        %dma_wait3A_105 = tpu.memref_squeeze %dma_wait3A_104 : memref<1x10240x128xf32, #tpu.memory_space<hbm>> -> memref<10240x128xf32, #tpu.memory_space<hbm>>
        %dma_wait3A_106 = arith.constant 0 : i32
        %dma_wait3A_107 = arith.constant 0 : i32
        %dma_wait3A_108 = tpu.memref_slice %dma_wait3A_105[%dma_wait3A_106, %dma_wait3A_107] : memref<10240x128xf32, #tpu.memory_space<hbm>> -> memref<10240x128xf32, #tpu.memory_space<hbm>>
        tpu.wait_indirect_dma semaphore(%arg16 : memref<!tpu.dma_semaphore, #tpu.memory_space<semaphore_mem>>) src(%dma_wait3A_108 : memref<10240x128xf32, #tpu.memory_space<hbm>>) dst(%arg11 : memref<64x128xf32, #tpu.memory_space<vmem>>)
        %add3A_109 = arith.constant 2 : i32
        %add3A_110 = arith.addi %add3A_28, %add3A_109 : i32
        "tpu.region"() ({
          %run_scoped3A = tpu.sem_alloc : memref<!tpu.dma_semaphore, #tpu.memory_space<semaphore_mem>>
          %dma_start3A_123 = arith.constant 0 : i32
          %dma_start3A_124 = tpu.memref_slice %arg8[%add3A_110, %dma_start3A_123] : memref<40x64xi32, #tpu.memory_space<vmem>> -> memref<1x64xi32, #tpu.memory_space<vmem>>
          %dma_start3A_125 = tpu.memref_squeeze %dma_start3A_124 : memref<1x64xi32, #tpu.memory_space<vmem>> -> memref<64xi32, #tpu.memory_space<vmem>>
          %dma_start3A_126 = arith.constant 0 : i32
          %dma_start3A_127 = arith.constant 0 : i32
          %dma_start3A_128 = tpu.memref_slice %arg13[%dma_start3A_126, %dma_start3A_127] : memref<10240x128xf32, #tpu.memory_space<vmem_shared>> -> memref<10240x128xf32, #tpu.memory_space<vmem_shared>>
          tpu.enqueue_indirect_dma source(%arg11 : memref<64x128xf32, #tpu.memory_space<vmem>>) target(%dma_start3A_128 : memref<10240x128xf32, #tpu.memory_space<vmem_shared>>) offsets(%dma_start3A_125 : memref<64xi32, #tpu.memory_space<vmem>>) semaphore(%run_scoped3A : memref<!tpu.dma_semaphore, #tpu.memory_space<semaphore_mem>>) {add = true}
          %dma_wait3A_129 = arith.constant 0 : i32
          %dma_wait3A_130 = tpu.memref_slice %arg8[%add3A_110, %dma_wait3A_129] : memref<40x64xi32, #tpu.memory_space<vmem>> -> memref<1x64xi32, #tpu.memory_space<vmem>>
          %dma_wait3A_131 = tpu.memref_squeeze %dma_wait3A_130 : memref<1x64xi32, #tpu.memory_space<vmem>> -> memref<64xi32, #tpu.memory_space<vmem>>
          %dma_wait3A_132 = arith.constant 0 : i32
          %dma_wait3A_133 = arith.constant 0 : i32
          %dma_wait3A_134 = tpu.memref_slice %arg13[%dma_wait3A_132, %dma_wait3A_133] : memref<10240x128xf32, #tpu.memory_space<vmem_shared>> -> memref<10240x128xf32, #tpu.memory_space<vmem_shared>>
          tpu.wait_indirect_dma semaphore(%run_scoped3A : memref<!tpu.dma_semaphore, #tpu.memory_space<semaphore_mem>>) src(%arg11 : memref<64x128xf32, #tpu.memory_space<vmem>>) dst(%dma_wait3A_134 : memref<10240x128xf32, #tpu.memory_space<vmem_shared>>)
          tpu.yield
        }) : () -> ()
        %dma_wait3A_111 = arith.constant 0 : i32
        %dma_wait3A_112 = tpu.memref_slice %arg7[%add3A_65, %dma_wait3A_111] : memref<40x64xi32, #tpu.memory_space<vmem>> -> memref<1x64xi32, #tpu.memory_space<vmem>>
        %dma_wait3A_113 = tpu.memref_squeeze %dma_wait3A_112 : memref<1x64xi32, #tpu.memory_space<vmem>> -> memref<64xi32, #tpu.memory_space<vmem>>
        %dma_wait3A_114 = arith.constant 0 : i32
        %dma_wait3A_115 = arith.constant 0 : i32
        %dma_wait3A_116 = tpu.memref_slice %arg2[%arg0, %dma_wait3A_114, %dma_wait3A_115] : memref<2x10240x128xf32, #tpu.memory_space<hbm>> -> memref<1x10240x128xf32, #tpu.memory_space<hbm>>
        %dma_wait3A_117 = tpu.memref_squeeze %dma_wait3A_116 : memref<1x10240x128xf32, #tpu.memory_space<hbm>> -> memref<10240x128xf32, #tpu.memory_space<hbm>>
        %dma_wait3A_118 = arith.constant 0 : i32
        %dma_wait3A_119 = arith.constant 0 : i32
        %dma_wait3A_120 = tpu.memref_slice %dma_wait3A_117[%dma_wait3A_118, %dma_wait3A_119] : memref<10240x128xf32, #tpu.memory_space<hbm>> -> memref<10240x128xf32, #tpu.memory_space<hbm>>
        tpu.wait_indirect_dma semaphore(%arg17 : memref<!tpu.dma_semaphore, #tpu.memory_space<semaphore_mem>>) src(%dma_wait3A_120 : memref<10240x128xf32, #tpu.memory_space<hbm>>) dst(%arg12 : memref<64x128xf32, #tpu.memory_space<vmem>>)
        %add3A_121 = arith.constant 3 : i32
        %add3A_122 = arith.addi %add3A_28, %add3A_121 : i32
        "tpu.region"() ({
          %run_scoped3A = tpu.sem_alloc : memref<!tpu.dma_semaphore, #tpu.memory_space<semaphore_mem>>
          %dma_start3A_123 = arith.constant 0 : i32
          %dma_start3A_124 = tpu.memref_slice %arg8[%add3A_122, %dma_start3A_123] : memref<40x64xi32, #tpu.memory_space<vmem>> -> memref<1x64xi32, #tpu.memory_space<vmem>>
          %dma_start3A_125 = tpu.memref_squeeze %dma_start3A_124 : memref<1x64xi32, #tpu.memory_space<vmem>> -> memref<64xi32, #tpu.memory_space<vmem>>
          %dma_start3A_126 = arith.constant 0 : i32
          %dma_start3A_127 = arith.constant 0 : i32
          %dma_start3A_128 = tpu.memref_slice %arg13[%dma_start3A_126, %dma_start3A_127] : memref<10240x128xf32, #tpu.memory_space<vmem_shared>> -> memref<10240x128xf32, #tpu.memory_space<vmem_shared>>
          tpu.enqueue_indirect_dma source(%arg12 : memref<64x128xf32, #tpu.memory_space<vmem>>) target(%dma_start3A_128 : memref<10240x128xf32, #tpu.memory_space<vmem_shared>>) offsets(%dma_start3A_125 : memref<64xi32, #tpu.memory_space<vmem>>) semaphore(%run_scoped3A : memref<!tpu.dma_semaphore, #tpu.memory_space<semaphore_mem>>) {add = true}
          %dma_wait3A_129 = arith.constant 0 : i32
          %dma_wait3A_130 = tpu.memref_slice %arg8[%add3A_122, %dma_wait3A_129] : memref<40x64xi32, #tpu.memory_space<vmem>> -> memref<1x64xi32, #tpu.memory_space<vmem>>
          %dma_wait3A_131 = tpu.memref_squeeze %dma_wait3A_130 : memref<1x64xi32, #tpu.memory_space<vmem>> -> memref<64xi32, #tpu.memory_space<vmem>>
          %dma_wait3A_132 = arith.constant 0 : i32
          %dma_wait3A_133 = arith.constant 0 : i32
          %dma_wait3A_134 = tpu.memref_slice %arg13[%dma_wait3A_132, %dma_wait3A_133] : memref<10240x128xf32, #tpu.memory_space<vmem_shared>> -> memref<10240x128xf32, #tpu.memory_space<vmem_shared>>
          tpu.wait_indirect_dma semaphore(%run_scoped3A : memref<!tpu.dma_semaphore, #tpu.memory_space<semaphore_mem>>) src(%arg12 : memref<64x128xf32, #tpu.memory_space<vmem>>) dst(%dma_wait3A_134 : memref<10240x128xf32, #tpu.memory_space<vmem_shared>>)
          tpu.yield
        }) : () -> ()
      }
      %scan3A_23 = arith.constant 10 : i32
    }
    %scan3A_8 = arith.constant 4 : i32
    %barrier3A_9 = arith.constant 0 : index
    tpu.barrier barrier_id(%barrier3A_9)
    "tpu.region"() ({
      %run_scoped3A = tpu.sem_alloc : memref<!tpu.dma_semaphore, #tpu.memory_space<semaphore_mem>>
      %dma_start3A = arith.constant 0 : i32
      %dma_start3A_10 = arith.constant 0 : i32
      %dma_start3A_11 = tpu.memref_slice %arg6[%arg0, %dma_start3A, %dma_start3A_10] : memref<2x10240x128xf32, #tpu.memory_space<hbm>> -> memref<1x10240x128xf32, #tpu.memory_space<hbm>>
      %dma_start3A_12 = tpu.memref_squeeze %dma_start3A_11 : memref<1x10240x128xf32, #tpu.memory_space<hbm>> -> memref<10240x128xf32, #tpu.memory_space<hbm>>
      %dma_start3A_13 = arith.constant 0 : i32
      %dma_start3A_14 = tpu.memref_slice %dma_start3A_12[%multiple_of3A, %dma_start3A_13] : memref<10240x128xf32, #tpu.memory_space<hbm>> -> memref<640x128xf32, #tpu.memory_space<hbm>>
      %dma_start3A_15 = arith.constant 0 : i32
      %dma_start3A_16 = tpu.memref_slice %arg13[%multiple_of3A, %dma_start3A_15] : memref<10240x128xf32, #tpu.memory_space<vmem_shared>> -> memref<640x128xf32, #tpu.memory_space<vmem_shared>>
      tpu.enqueue_dma source(%dma_start3A_16 : memref<640x128xf32, #tpu.memory_space<vmem_shared>>) target(%dma_start3A_14 : memref<640x128xf32, #tpu.memory_space<hbm>>) target_semaphore(%run_scoped3A : memref<!tpu.dma_semaphore, #tpu.memory_space<semaphore_mem>>)
      %dma_wait3A = arith.constant 0 : i32
      %dma_wait3A_17 = arith.constant 0 : i32
      %dma_wait3A_18 = tpu.memref_slice %arg6[%arg0, %dma_wait3A, %dma_wait3A_17] : memref<2x10240x128xf32, #tpu.memory_space<hbm>> -> memref<1x10240x128xf32, #tpu.memory_space<hbm>>
      %dma_wait3A_19 = tpu.memref_squeeze %dma_wait3A_18 : memref<1x10240x128xf32, #tpu.memory_space<hbm>> -> memref<10240x128xf32, #tpu.memory_space<hbm>>
      %dma_wait3A_20 = arith.constant 0 : i32
      %dma_wait3A_21 = tpu.memref_slice %dma_wait3A_19[%multiple_of3A, %dma_wait3A_20] : memref<10240x128xf32, #tpu.memory_space<hbm>> -> memref<640x128xf32, #tpu.memory_space<hbm>>
      %dma_wait3A_22 = arith.constant 0 : i32
      %dma_wait3A_23 = tpu.memref_slice %arg13[%multiple_of3A, %dma_wait3A_22] : memref<10240x128xf32, #tpu.memory_space<vmem_shared>> -> memref<640x128xf32, #tpu.memory_space<vmem_shared>>
      tpu.wait_dma2 semaphore(%run_scoped3A : memref<!tpu.dma_semaphore, #tpu.memory_space<semaphore_mem>>) src(%dma_wait3A_23 : memref<640x128xf32, #tpu.memory_space<vmem_shared>>) dst(%dma_wait3A_21 : memref<640x128xf32, #tpu.memory_space<hbm>>)
      tpu.yield
    }) : () -> ()
    return
  }
}

#map = affine_map<(d0, d1) -> (0, 0)>
#map1 = affine_map<(d0, d1) -> (0, 0, 0)>
module attributes {stable_mosaic.version = 14 : i64} {
  func.func @body(%arg0: i32, %arg1: i32, %arg2: memref<10240x128xf32, #tpu.memory_space<hbm>>, %arg3: memref<2560x64xi32, #tpu.memory_space<hbm>>, %arg4: memref<2560x64xi32, #tpu.memory_space<hbm>>, %arg5: memref<640x128xf32, #tpu.memory_space<hbm>>, %arg6: memref<2x10240x128xf32, #tpu.memory_space<hbm>>, %arg7: memref<40x64xi32, #tpu.memory_space<vmem>>, %arg8: memref<40x64xi32, #tpu.memory_space<vmem>>, %arg9: memref<64x128xf32, #tpu.memory_space<vmem>>, %arg10: memref<64x128xf32, #tpu.memory_space<vmem>>, %arg11: memref<64x128xf32, #tpu.memory_space<vmem>>, %arg12: memref<64x128xf32, #tpu.memory_space<vmem>>, %arg13: memref<10240x128xf32, #tpu.memory_space<vmem_shared>>, %arg14: memref<!tpu.dma_semaphore, #tpu.memory_space<semaphore_mem>>, %arg15: memref<!tpu.dma_semaphore, #tpu.memory_space<semaphore_mem>>, %arg16: memref<!tpu.dma_semaphore, #tpu.memory_space<semaphore_mem>>, %arg17: memref<!tpu.dma_semaphore, #tpu.memory_space<semaphore_mem>>) attributes {dimension_semantics = [#tpu.dimension_semantics<core_parallel>, #tpu.dimension_semantics<subcore_parallel>], iteration_bounds = array<i64: 2, 16>, scalar_prefetch = 0 : i64, scratch_operands = 11 : i64, tpu.core_type = #tpu.core_type<sc_vector_subcore>, window_params = [{transform_indices = #map}, {transform_indices = #map}, {transform_indices = #map}, {transform_indices = #map}, {transform_indices = #map1}]} {
    %mul3A = arith.constant 640 : i32
    %mul3A_0 = arith.muli %arg1, %mul3A : i32
    %multiple_of3A = tpu.assume_multiple %mul3A_0, 8 : i32
    "tpu.region"() ({
      %run_scoped3A = tpu.sem_alloc : memref<!tpu.dma_semaphore, #tpu.memory_space<semaphore_mem>>
      %dma_start3A = arith.constant 0 : i32
      %dma_start3A_9 = tpu.memref_slice %arg13[%multiple_of3A, %dma_start3A] : memref<10240x128xf32, #tpu.memory_space<vmem_shared>> -> memref<640x128xf32, #tpu.memory_space<vmem_shared>>
      tpu.enqueue_dma source(%arg5 : memref<640x128xf32, #tpu.memory_space<hbm>>) target(%dma_start3A_9 : memref<640x128xf32, #tpu.memory_space<vmem_shared>>) target_semaphore(%run_scoped3A : memref<!tpu.dma_semaphore, #tpu.memory_space<semaphore_mem>>)
      %dma_wait3A = arith.constant 0 : i32
      %dma_wait3A_10 = tpu.memref_slice %arg13[%multiple_of3A, %dma_wait3A] : memref<10240x128xf32, #tpu.memory_space<vmem_shared>> -> memref<640x128xf32, #tpu.memory_space<vmem_shared>>
      tpu.wait_dma2 semaphore(%run_scoped3A : memref<!tpu.dma_semaphore, #tpu.memory_space<semaphore_mem>>) src(%arg5 : memref<640x128xf32, #tpu.memory_space<hbm>>) dst(%dma_wait3A_10 : memref<640x128xf32, #tpu.memory_space<vmem_shared>>)
      tpu.yield
    }) : () -> ()
    %barrier3A = arith.constant 0 : index
    tpu.barrier barrier_id(%barrier3A)
    %eq3A = arith.constant 0 : i32
    %eq3A_1 = arith.cmpi eq, %arg0, %eq3A : i32
    %convert_element_type3A = arith.extui %eq3A_1 : i1 to i32
    %cond3A = arith.constant 0 : i32
    %cond3A_2 = arith.cmpi ne, %convert_element_type3A, %cond3A : i32
    scf.if %cond3A_2 {
      %mul3A_9 = arith.constant 120 : i32
      %mul3A_10 = arith.muli %arg1, %mul3A_9 : i32
      %add3A = arith.constant 0 : i32
      %add3A_11 = arith.addi %add3A, %mul3A_10 : i32
      %multiple_of3A_12 = tpu.assume_multiple %add3A_11, 8 : i32
      %scan3A = arith.constant 0 : i32
      %scan3A_13 = arith.constant 3 : i32
      %scan3A_14 = arith.addi %scan3A, %scan3A_13 : i32
      %scan3A_15 = arith.constant 1 : i32
      scf.for %scan3A_17 = %scan3A to %scan3A_14 step %scan3A_15  : i32 {
        %mul3A_18 = arith.constant 1 : i32
        %mul3A_19 = arith.muli %scan3A_17, %mul3A_18 : i32
        %add3A_20 = arith.constant 0 : i32
        %add3A_21 = arith.addi %add3A_20, %mul3A_19 : i32
        %mul3A_22 = arith.constant 40 : i32
        %mul3A_23 = arith.muli %add3A_21, %mul3A_22 : i32
        %add3A_24 = arith.addi %multiple_of3A_12, %mul3A_23 : i32
        %multiple_of3A_25 = tpu.assume_multiple %add3A_24, 8 : i32
        "tpu.region"() ({
          %run_scoped3A = tpu.sem_alloc : memref<!tpu.dma_semaphore, #tpu.memory_space<semaphore_mem>>
          %dma_start3A = arith.constant 0 : i32
          %dma_start3A_31 = tpu.memref_slice %arg3[%multiple_of3A_25, %dma_start3A] : memref<2560x64xi32, #tpu.memory_space<hbm>> -> memref<40x64xi32, #tpu.memory_space<hbm>>
          %dma_start3A_32 = arith.constant 0 : i32
          %dma_start3A_33 = tpu.memref_slice %arg3[%multiple_of3A_25, %dma_start3A_32] : memref<2560x64xi32, #tpu.memory_space<hbm>> -> memref<40x64xi32, #tpu.memory_space<hbm>>
          tpu.enqueue_dma source(%dma_start3A_33 : memref<40x64xi32, #tpu.memory_space<hbm>>) target(%arg7 : memref<40x64xi32, #tpu.memory_space<vmem>>) target_semaphore(%run_scoped3A : memref<!tpu.dma_semaphore, #tpu.memory_space<semaphore_mem>>)
          %dma_wait3A = arith.constant 0 : i32
          %dma_wait3A_34 = tpu.memref_slice %arg3[%multiple_of3A_25, %dma_wait3A] : memref<2560x64xi32, #tpu.memory_space<hbm>> -> memref<40x64xi32, #tpu.memory_space<hbm>>
          %dma_wait3A_35 = arith.constant 0 : i32
          %dma_wait3A_36 = tpu.memref_slice %arg3[%multiple_of3A_25, %dma_wait3A_35] : memref<2560x64xi32, #tpu.memory_space<hbm>> -> memref<40x64xi32, #tpu.memory_space<hbm>>
          tpu.wait_dma2 semaphore(%run_scoped3A : memref<!tpu.dma_semaphore, #tpu.memory_space<semaphore_mem>>) src(%dma_wait3A_36 : memref<40x64xi32, #tpu.memory_space<hbm>>) dst(%arg7 : memref<40x64xi32, #tpu.memory_space<vmem>>)
          tpu.yield
        }) : () -> ()
        "tpu.region"() ({
          %run_scoped3A = tpu.sem_alloc : memref<!tpu.dma_semaphore, #tpu.memory_space<semaphore_mem>>
          %dma_start3A = arith.constant 0 : i32
          %dma_start3A_31 = tpu.memref_slice %arg4[%multiple_of3A_25, %dma_start3A] : memref<2560x64xi32, #tpu.memory_space<hbm>> -> memref<40x64xi32, #tpu.memory_space<hbm>>
          %dma_start3A_32 = arith.constant 0 : i32
          %dma_start3A_33 = tpu.memref_slice %arg4[%multiple_of3A_25, %dma_start3A_32] : memref<2560x64xi32, #tpu.memory_space<hbm>> -> memref<40x64xi32, #tpu.memory_space<hbm>>
          tpu.enqueue_dma source(%dma_start3A_33 : memref<40x64xi32, #tpu.memory_space<hbm>>) target(%arg8 : memref<40x64xi32, #tpu.memory_space<vmem>>) target_semaphore(%run_scoped3A : memref<!tpu.dma_semaphore, #tpu.memory_space<semaphore_mem>>)
          %dma_wait3A = arith.constant 0 : i32
          %dma_wait3A_34 = tpu.memref_slice %arg4[%multiple_of3A_25, %dma_wait3A] : memref<2560x64xi32, #tpu.memory_space<hbm>> -> memref<40x64xi32, #tpu.memory_space<hbm>>
          %dma_wait3A_35 = arith.constant 0 : i32
          %dma_wait3A_36 = tpu.memref_slice %arg4[%multiple_of3A_25, %dma_wait3A_35] : memref<2560x64xi32, #tpu.memory_space<hbm>> -> memref<40x64xi32, #tpu.memory_space<hbm>>
          tpu.wait_dma2 semaphore(%run_scoped3A : memref<!tpu.dma_semaphore, #tpu.memory_space<semaphore_mem>>) src(%dma_wait3A_36 : memref<40x64xi32, #tpu.memory_space<hbm>>) dst(%arg8 : memref<40x64xi32, #tpu.memory_space<vmem>>)
          tpu.yield
        }) : () -> ()
        %scan3A_26 = arith.constant 0 : i32
        %scan3A_27 = arith.constant 10 : i32
        %scan3A_28 = arith.addi %scan3A_26, %scan3A_27 : i32
        %scan3A_29 = arith.constant 1 : i32
        scf.for %scan3A_31 = %scan3A_26 to %scan3A_28 step %scan3A_29  : i32 {
          %mul3A_32 = arith.constant 4 : i32
          %mul3A_33 = arith.muli %scan3A_31, %mul3A_32 : i32
          %add3A_34 = arith.constant 0 : i32
          %add3A_35 = arith.addi %add3A_34, %mul3A_33 : i32
          %add3A_36 = arith.constant 0 : i32
          %add3A_37 = arith.addi %add3A_35, %add3A_36 : i32
          %dma_start3A = arith.constant 0 : i32
          %dma_start3A_38 = tpu.memref_slice %arg7[%add3A_37, %dma_start3A] : memref<40x64xi32, #tpu.memory_space<vmem>> -> memref<1x64xi32, #tpu.memory_space<vmem>>
          %dma_start3A_39 = tpu.memref_squeeze %dma_start3A_38 : memref<1x64xi32, #tpu.memory_space<vmem>> -> memref<64xi32, #tpu.memory_space<vmem>>
          %dma_start3A_40 = arith.constant 0 : i32
          %dma_start3A_41 = arith.constant 0 : i32
          %dma_start3A_42 = tpu.memref_slice %arg2[%dma_start3A_40, %dma_start3A_41] : memref<10240x128xf32, #tpu.memory_space<hbm>> -> memref<10240x128xf32, #tpu.memory_space<hbm>>
          tpu.enqueue_indirect_dma source(%dma_start3A_42 : memref<10240x128xf32, #tpu.memory_space<hbm>>) target(%arg9 : memref<64x128xf32, #tpu.memory_space<vmem>>) offsets(%dma_start3A_39 : memref<64xi32, #tpu.memory_space<vmem>>) semaphore(%arg14 : memref<!tpu.dma_semaphore, #tpu.memory_space<semaphore_mem>>)
          %add3A_43 = arith.constant 1 : i32
          %add3A_44 = arith.addi %add3A_35, %add3A_43 : i32
          %dma_start3A_45 = arith.constant 0 : i32
          %dma_start3A_46 = tpu.memref_slice %arg7[%add3A_44, %dma_start3A_45] : memref<40x64xi32, #tpu.memory_space<vmem>> -> memref<1x64xi32, #tpu.memory_space<vmem>>
          %dma_start3A_47 = tpu.memref_squeeze %dma_start3A_46 : memref<1x64xi32, #tpu.memory_space<vmem>> -> memref<64xi32, #tpu.memory_space<vmem>>
          %dma_start3A_48 = arith.constant 0 : i32
          %dma_start3A_49 = arith.constant 0 : i32
          %dma_start3A_50 = tpu.memref_slice %arg2[%dma_start3A_48, %dma_start3A_49] : memref<10240x128xf32, #tpu.memory_space<hbm>> -> memref<10240x128xf32, #tpu.memory_space<hbm>>
          tpu.enqueue_indirect_dma source(%dma_start3A_50 : memref<10240x128xf32, #tpu.memory_space<hbm>>) target(%arg10 : memref<64x128xf32, #tpu.memory_space<vmem>>) offsets(%dma_start3A_47 : memref<64xi32, #tpu.memory_space<vmem>>) semaphore(%arg15 : memref<!tpu.dma_semaphore, #tpu.memory_space<semaphore_mem>>)
          %add3A_51 = arith.constant 2 : i32
          %add3A_52 = arith.addi %add3A_35, %add3A_51 : i32
          %dma_start3A_53 = arith.constant 0 : i32
          %dma_start3A_54 = tpu.memref_slice %arg7[%add3A_52, %dma_start3A_53] : memref<40x64xi32, #tpu.memory_space<vmem>> -> memref<1x64xi32, #tpu.memory_space<vmem>>
          %dma_start3A_55 = tpu.memref_squeeze %dma_start3A_54 : memref<1x64xi32, #tpu.memory_space<vmem>> -> memref<64xi32, #tpu.memory_space<vmem>>
          %dma_start3A_56 = arith.constant 0 : i32
          %dma_start3A_57 = arith.constant 0 : i32
          %dma_start3A_58 = tpu.memref_slice %arg2[%dma_start3A_56, %dma_start3A_57] : memref<10240x128xf32, #tpu.memory_space<hbm>> -> memref<10240x128xf32, #tpu.memory_space<hbm>>
          tpu.enqueue_indirect_dma source(%dma_start3A_58 : memref<10240x128xf32, #tpu.memory_space<hbm>>) target(%arg11 : memref<64x128xf32, #tpu.memory_space<vmem>>) offsets(%dma_start3A_55 : memref<64xi32, #tpu.memory_space<vmem>>) semaphore(%arg16 : memref<!tpu.dma_semaphore, #tpu.memory_space<semaphore_mem>>)
          %add3A_59 = arith.constant 3 : i32
          %add3A_60 = arith.addi %add3A_35, %add3A_59 : i32
          %dma_start3A_61 = arith.constant 0 : i32
          %dma_start3A_62 = tpu.memref_slice %arg7[%add3A_60, %dma_start3A_61] : memref<40x64xi32, #tpu.memory_space<vmem>> -> memref<1x64xi32, #tpu.memory_space<vmem>>
          %dma_start3A_63 = tpu.memref_squeeze %dma_start3A_62 : memref<1x64xi32, #tpu.memory_space<vmem>> -> memref<64xi32, #tpu.memory_space<vmem>>
          %dma_start3A_64 = arith.constant 0 : i32
          %dma_start3A_65 = arith.constant 0 : i32
          %dma_start3A_66 = tpu.memref_slice %arg2[%dma_start3A_64, %dma_start3A_65] : memref<10240x128xf32, #tpu.memory_space<hbm>> -> memref<10240x128xf32, #tpu.memory_space<hbm>>
          tpu.enqueue_indirect_dma source(%dma_start3A_66 : memref<10240x128xf32, #tpu.memory_space<hbm>>) target(%arg12 : memref<64x128xf32, #tpu.memory_space<vmem>>) offsets(%dma_start3A_63 : memref<64xi32, #tpu.memory_space<vmem>>) semaphore(%arg17 : memref<!tpu.dma_semaphore, #tpu.memory_space<semaphore_mem>>)
          %dma_wait3A = arith.constant 0 : i32
          %dma_wait3A_67 = tpu.memref_slice %arg7[%add3A_37, %dma_wait3A] : memref<40x64xi32, #tpu.memory_space<vmem>> -> memref<1x64xi32, #tpu.memory_space<vmem>>
          %dma_wait3A_68 = tpu.memref_squeeze %dma_wait3A_67 : memref<1x64xi32, #tpu.memory_space<vmem>> -> memref<64xi32, #tpu.memory_space<vmem>>
          %dma_wait3A_69 = arith.constant 0 : i32
          %dma_wait3A_70 = arith.constant 0 : i32
          %dma_wait3A_71 = tpu.memref_slice %arg2[%dma_wait3A_69, %dma_wait3A_70] : memref<10240x128xf32, #tpu.memory_space<hbm>> -> memref<10240x128xf32, #tpu.memory_space<hbm>>
          tpu.wait_indirect_dma semaphore(%arg14 : memref<!tpu.dma_semaphore, #tpu.memory_space<semaphore_mem>>) src(%dma_wait3A_71 : memref<10240x128xf32, #tpu.memory_space<hbm>>) dst(%arg9 : memref<64x128xf32, #tpu.memory_space<vmem>>)
          %add3A_72 = arith.constant 0 : i32
          %add3A_73 = arith.addi %add3A_35, %add3A_72 : i32
          "tpu.region"() ({
            %run_scoped3A = tpu.sem_alloc : memref<!tpu.dma_semaphore, #tpu.memory_space<semaphore_mem>>
            %dma_start3A_98 = arith.constant 0 : i32
            %dma_start3A_99 = tpu.memref_slice %arg8[%add3A_73, %dma_start3A_98] : memref<40x64xi32, #tpu.memory_space<vmem>> -> memref<1x64xi32, #tpu.memory_space<vmem>>
            %dma_start3A_100 = tpu.memref_squeeze %dma_start3A_99 : memref<1x64xi32, #tpu.memory_space<vmem>> -> memref<64xi32, #tpu.memory_space<vmem>>
            %dma_start3A_101 = arith.constant 0 : i32
            %dma_start3A_102 = arith.constant 0 : i32
            %dma_start3A_103 = tpu.memref_slice %arg13[%dma_start3A_101, %dma_start3A_102] : memref<10240x128xf32, #tpu.memory_space<vmem_shared>> -> memref<10240x128xf32, #tpu.memory_space<vmem_shared>>
            tpu.enqueue_indirect_dma source(%arg9 : memref<64x128xf32, #tpu.memory_space<vmem>>) target(%dma_start3A_103 : memref<10240x128xf32, #tpu.memory_space<vmem_shared>>) offsets(%dma_start3A_100 : memref<64xi32, #tpu.memory_space<vmem>>) semaphore(%run_scoped3A : memref<!tpu.dma_semaphore, #tpu.memory_space<semaphore_mem>>) {add = true}
            %dma_wait3A_104 = arith.constant 0 : i32
            %dma_wait3A_105 = tpu.memref_slice %arg8[%add3A_73, %dma_wait3A_104] : memref<40x64xi32, #tpu.memory_space<vmem>> -> memref<1x64xi32, #tpu.memory_space<vmem>>
            %dma_wait3A_106 = tpu.memref_squeeze %dma_wait3A_105 : memref<1x64xi32, #tpu.memory_space<vmem>> -> memref<64xi32, #tpu.memory_space<vmem>>
            %dma_wait3A_107 = arith.constant 0 : i32
            %dma_wait3A_108 = arith.constant 0 : i32
            %dma_wait3A_109 = tpu.memref_slice %arg13[%dma_wait3A_107, %dma_wait3A_108] : memref<10240x128xf32, #tpu.memory_space<vmem_shared>> -> memref<10240x128xf32, #tpu.memory_space<vmem_shared>>
            tpu.wait_indirect_dma semaphore(%run_scoped3A : memref<!tpu.dma_semaphore, #tpu.memory_space<semaphore_mem>>) src(%arg9 : memref<64x128xf32, #tpu.memory_space<vmem>>) dst(%dma_wait3A_109 : memref<10240x128xf32, #tpu.memory_space<vmem_shared>>)
            tpu.yield
          }) : () -> ()
          %dma_wait3A_74 = arith.constant 0 : i32
          %dma_wait3A_75 = tpu.memref_slice %arg7[%add3A_44, %dma_wait3A_74] : memref<40x64xi32, #tpu.memory_space<vmem>> -> memref<1x64xi32, #tpu.memory_space<vmem>>
          %dma_wait3A_76 = tpu.memref_squeeze %dma_wait3A_75 : memref<1x64xi32, #tpu.memory_space<vmem>> -> memref<64xi32, #tpu.memory_space<vmem>>
          %dma_wait3A_77 = arith.constant 0 : i32
          %dma_wait3A_78 = arith.constant 0 : i32
          %dma_wait3A_79 = tpu.memref_slice %arg2[%dma_wait3A_77, %dma_wait3A_78] : memref<10240x128xf32, #tpu.memory_space<hbm>> -> memref<10240x128xf32, #tpu.memory_space<hbm>>
          tpu.wait_indirect_dma semaphore(%arg15 : memref<!tpu.dma_semaphore, #tpu.memory_space<semaphore_mem>>) src(%dma_wait3A_79 : memref<10240x128xf32, #tpu.memory_space<hbm>>) dst(%arg10 : memref<64x128xf32, #tpu.memory_space<vmem>>)
          %add3A_80 = arith.constant 1 : i32
          %add3A_81 = arith.addi %add3A_35, %add3A_80 : i32
          "tpu.region"() ({
            %run_scoped3A = tpu.sem_alloc : memref<!tpu.dma_semaphore, #tpu.memory_space<semaphore_mem>>
            %dma_start3A_98 = arith.constant 0 : i32
            %dma_start3A_99 = tpu.memref_slice %arg8[%add3A_81, %dma_start3A_98] : memref<40x64xi32, #tpu.memory_space<vmem>> -> memref<1x64xi32, #tpu.memory_space<vmem>>
            %dma_start3A_100 = tpu.memref_squeeze %dma_start3A_99 : memref<1x64xi32, #tpu.memory_space<vmem>> -> memref<64xi32, #tpu.memory_space<vmem>>
            %dma_start3A_101 = arith.constant 0 : i32
            %dma_start3A_102 = arith.constant 0 : i32
            %dma_start3A_103 = tpu.memref_slice %arg13[%dma_start3A_101, %dma_start3A_102] : memref<10240x128xf32, #tpu.memory_space<vmem_shared>> -> memref<10240x128xf32, #tpu.memory_space<vmem_shared>>
            tpu.enqueue_indirect_dma source(%arg10 : memref<64x128xf32, #tpu.memory_space<vmem>>) target(%dma_start3A_103 : memref<10240x128xf32, #tpu.memory_space<vmem_shared>>) offsets(%dma_start3A_100 : memref<64xi32, #tpu.memory_space<vmem>>) semaphore(%run_scoped3A : memref<!tpu.dma_semaphore, #tpu.memory_space<semaphore_mem>>) {add = true}
            %dma_wait3A_104 = arith.constant 0 : i32
            %dma_wait3A_105 = tpu.memref_slice %arg8[%add3A_81, %dma_wait3A_104] : memref<40x64xi32, #tpu.memory_space<vmem>> -> memref<1x64xi32, #tpu.memory_space<vmem>>
            %dma_wait3A_106 = tpu.memref_squeeze %dma_wait3A_105 : memref<1x64xi32, #tpu.memory_space<vmem>> -> memref<64xi32, #tpu.memory_space<vmem>>
            %dma_wait3A_107 = arith.constant 0 : i32
            %dma_wait3A_108 = arith.constant 0 : i32
            %dma_wait3A_109 = tpu.memref_slice %arg13[%dma_wait3A_107, %dma_wait3A_108] : memref<10240x128xf32, #tpu.memory_space<vmem_shared>> -> memref<10240x128xf32, #tpu.memory_space<vmem_shared>>
            tpu.wait_indirect_dma semaphore(%run_scoped3A : memref<!tpu.dma_semaphore, #tpu.memory_space<semaphore_mem>>) src(%arg10 : memref<64x128xf32, #tpu.memory_space<vmem>>) dst(%dma_wait3A_109 : memref<10240x128xf32, #tpu.memory_space<vmem_shared>>)
            tpu.yield
          }) : () -> ()
          %dma_wait3A_82 = arith.constant 0 : i32
          %dma_wait3A_83 = tpu.memref_slice %arg7[%add3A_52, %dma_wait3A_82] : memref<40x64xi32, #tpu.memory_space<vmem>> -> memref<1x64xi32, #tpu.memory_space<vmem>>
          %dma_wait3A_84 = tpu.memref_squeeze %dma_wait3A_83 : memref<1x64xi32, #tpu.memory_space<vmem>> -> memref<64xi32, #tpu.memory_space<vmem>>
          %dma_wait3A_85 = arith.constant 0 : i32
          %dma_wait3A_86 = arith.constant 0 : i32
          %dma_wait3A_87 = tpu.memref_slice %arg2[%dma_wait3A_85, %dma_wait3A_86] : memref<10240x128xf32, #tpu.memory_space<hbm>> -> memref<10240x128xf32, #tpu.memory_space<hbm>>
          tpu.wait_indirect_dma semaphore(%arg16 : memref<!tpu.dma_semaphore, #tpu.memory_space<semaphore_mem>>) src(%dma_wait3A_87 : memref<10240x128xf32, #tpu.memory_space<hbm>>) dst(%arg11 : memref<64x128xf32, #tpu.memory_space<vmem>>)
          %add3A_88 = arith.constant 2 : i32
          %add3A_89 = arith.addi %add3A_35, %add3A_88 : i32
          "tpu.region"() ({
            %run_scoped3A = tpu.sem_alloc : memref<!tpu.dma_semaphore, #tpu.memory_space<semaphore_mem>>
            %dma_start3A_98 = arith.constant 0 : i32
            %dma_start3A_99 = tpu.memref_slice %arg8[%add3A_89, %dma_start3A_98] : memref<40x64xi32, #tpu.memory_space<vmem>> -> memref<1x64xi32, #tpu.memory_space<vmem>>
            %dma_start3A_100 = tpu.memref_squeeze %dma_start3A_99 : memref<1x64xi32, #tpu.memory_space<vmem>> -> memref<64xi32, #tpu.memory_space<vmem>>
            %dma_start3A_101 = arith.constant 0 : i32
            %dma_start3A_102 = arith.constant 0 : i32
            %dma_start3A_103 = tpu.memref_slice %arg13[%dma_start3A_101, %dma_start3A_102] : memref<10240x128xf32, #tpu.memory_space<vmem_shared>> -> memref<10240x128xf32, #tpu.memory_space<vmem_shared>>
            tpu.enqueue_indirect_dma source(%arg11 : memref<64x128xf32, #tpu.memory_space<vmem>>) target(%dma_start3A_103 : memref<10240x128xf32, #tpu.memory_space<vmem_shared>>) offsets(%dma_start3A_100 : memref<64xi32, #tpu.memory_space<vmem>>) semaphore(%run_scoped3A : memref<!tpu.dma_semaphore, #tpu.memory_space<semaphore_mem>>) {add = true}
            %dma_wait3A_104 = arith.constant 0 : i32
            %dma_wait3A_105 = tpu.memref_slice %arg8[%add3A_89, %dma_wait3A_104] : memref<40x64xi32, #tpu.memory_space<vmem>> -> memref<1x64xi32, #tpu.memory_space<vmem>>
            %dma_wait3A_106 = tpu.memref_squeeze %dma_wait3A_105 : memref<1x64xi32, #tpu.memory_space<vmem>> -> memref<64xi32, #tpu.memory_space<vmem>>
            %dma_wait3A_107 = arith.constant 0 : i32
            %dma_wait3A_108 = arith.constant 0 : i32
            %dma_wait3A_109 = tpu.memref_slice %arg13[%dma_wait3A_107, %dma_wait3A_108] : memref<10240x128xf32, #tpu.memory_space<vmem_shared>> -> memref<10240x128xf32, #tpu.memory_space<vmem_shared>>
            tpu.wait_indirect_dma semaphore(%run_scoped3A : memref<!tpu.dma_semaphore, #tpu.memory_space<semaphore_mem>>) src(%arg11 : memref<64x128xf32, #tpu.memory_space<vmem>>) dst(%dma_wait3A_109 : memref<10240x128xf32, #tpu.memory_space<vmem_shared>>)
            tpu.yield
          }) : () -> ()
          %dma_wait3A_90 = arith.constant 0 : i32
          %dma_wait3A_91 = tpu.memref_slice %arg7[%add3A_60, %dma_wait3A_90] : memref<40x64xi32, #tpu.memory_space<vmem>> -> memref<1x64xi32, #tpu.memory_space<vmem>>
          %dma_wait3A_92 = tpu.memref_squeeze %dma_wait3A_91 : memref<1x64xi32, #tpu.memory_space<vmem>> -> memref<64xi32, #tpu.memory_space<vmem>>
          %dma_wait3A_93 = arith.constant 0 : i32
          %dma_wait3A_94 = arith.constant 0 : i32
          %dma_wait3A_95 = tpu.memref_slice %arg2[%dma_wait3A_93, %dma_wait3A_94] : memref<10240x128xf32, #tpu.memory_space<hbm>> -> memref<10240x128xf32, #tpu.memory_space<hbm>>
          tpu.wait_indirect_dma semaphore(%arg17 : memref<!tpu.dma_semaphore, #tpu.memory_space<semaphore_mem>>) src(%dma_wait3A_95 : memref<10240x128xf32, #tpu.memory_space<hbm>>) dst(%arg12 : memref<64x128xf32, #tpu.memory_space<vmem>>)
          %add3A_96 = arith.constant 3 : i32
          %add3A_97 = arith.addi %add3A_35, %add3A_96 : i32
          "tpu.region"() ({
            %run_scoped3A = tpu.sem_alloc : memref<!tpu.dma_semaphore, #tpu.memory_space<semaphore_mem>>
            %dma_start3A_98 = arith.constant 0 : i32
            %dma_start3A_99 = tpu.memref_slice %arg8[%add3A_97, %dma_start3A_98] : memref<40x64xi32, #tpu.memory_space<vmem>> -> memref<1x64xi32, #tpu.memory_space<vmem>>
            %dma_start3A_100 = tpu.memref_squeeze %dma_start3A_99 : memref<1x64xi32, #tpu.memory_space<vmem>> -> memref<64xi32, #tpu.memory_space<vmem>>
            %dma_start3A_101 = arith.constant 0 : i32
            %dma_start3A_102 = arith.constant 0 : i32
            %dma_start3A_103 = tpu.memref_slice %arg13[%dma_start3A_101, %dma_start3A_102] : memref<10240x128xf32, #tpu.memory_space<vmem_shared>> -> memref<10240x128xf32, #tpu.memory_space<vmem_shared>>
            tpu.enqueue_indirect_dma source(%arg12 : memref<64x128xf32, #tpu.memory_space<vmem>>) target(%dma_start3A_103 : memref<10240x128xf32, #tpu.memory_space<vmem_shared>>) offsets(%dma_start3A_100 : memref<64xi32, #tpu.memory_space<vmem>>) semaphore(%run_scoped3A : memref<!tpu.dma_semaphore, #tpu.memory_space<semaphore_mem>>) {add = true}
            %dma_wait3A_104 = arith.constant 0 : i32
            %dma_wait3A_105 = tpu.memref_slice %arg8[%add3A_97, %dma_wait3A_104] : memref<40x64xi32, #tpu.memory_space<vmem>> -> memref<1x64xi32, #tpu.memory_space<vmem>>
            %dma_wait3A_106 = tpu.memref_squeeze %dma_wait3A_105 : memref<1x64xi32, #tpu.memory_space<vmem>> -> memref<64xi32, #tpu.memory_space<vmem>>
            %dma_wait3A_107 = arith.constant 0 : i32
            %dma_wait3A_108 = arith.constant 0 : i32
            %dma_wait3A_109 = tpu.memref_slice %arg13[%dma_wait3A_107, %dma_wait3A_108] : memref<10240x128xf32, #tpu.memory_space<vmem_shared>> -> memref<10240x128xf32, #tpu.memory_space<vmem_shared>>
            tpu.wait_indirect_dma semaphore(%run_scoped3A : memref<!tpu.dma_semaphore, #tpu.memory_space<semaphore_mem>>) src(%arg12 : memref<64x128xf32, #tpu.memory_space<vmem>>) dst(%dma_wait3A_109 : memref<10240x128xf32, #tpu.memory_space<vmem_shared>>)
            tpu.yield
          }) : () -> ()
        }
        %scan3A_30 = arith.constant 10 : i32
      }
      %scan3A_16 = arith.constant 3 : i32
    } else {
    }
    %eq3A_3 = arith.constant 1 : i32
    %eq3A_4 = arith.cmpi eq, %arg0, %eq3A_3 : i32
    %convert_element_type3A_5 = arith.extui %eq3A_4 : i1 to i32
    %cond3A_6 = arith.constant 0 : i32
    %cond3A_7 = arith.cmpi ne, %convert_element_type3A_5, %cond3A_6 : i32
    scf.if %cond3A_7 {
      %mul3A_9 = arith.constant 40 : i32
      %mul3A_10 = arith.muli %arg1, %mul3A_9 : i32
      %add3A = arith.constant 1920 : i32
      %add3A_11 = arith.addi %add3A, %mul3A_10 : i32
      %multiple_of3A_12 = tpu.assume_multiple %add3A_11, 8 : i32
      %scan3A = arith.constant 0 : i32
      %mul3A_13 = arith.constant 1 : i32
      %mul3A_14 = arith.muli %scan3A, %mul3A_13 : i32
      %add3A_15 = arith.constant 0 : i32
      %add3A_16 = arith.addi %add3A_15, %mul3A_14 : i32
      %mul3A_17 = arith.constant 40 : i32
      %mul3A_18 = arith.muli %add3A_16, %mul3A_17 : i32
      %add3A_19 = arith.addi %multiple_of3A_12, %mul3A_18 : i32
      %multiple_of3A_20 = tpu.assume_multiple %add3A_19, 8 : i32
      "tpu.region"() ({
        %run_scoped3A = tpu.sem_alloc : memref<!tpu.dma_semaphore, #tpu.memory_space<semaphore_mem>>
        %dma_start3A = arith.constant 0 : i32
        %dma_start3A_27 = tpu.memref_slice %arg3[%multiple_of3A_20, %dma_start3A] : memref<2560x64xi32, #tpu.memory_space<hbm>> -> memref<40x64xi32, #tpu.memory_space<hbm>>
        %dma_start3A_28 = arith.constant 0 : i32
        %dma_start3A_29 = tpu.memref_slice %arg3[%multiple_of3A_20, %dma_start3A_28] : memref<2560x64xi32, #tpu.memory_space<hbm>> -> memref<40x64xi32, #tpu.memory_space<hbm>>
        tpu.enqueue_dma source(%dma_start3A_29 : memref<40x64xi32, #tpu.memory_space<hbm>>) target(%arg7 : memref<40x64xi32, #tpu.memory_space<vmem>>) target_semaphore(%run_scoped3A : memref<!tpu.dma_semaphore, #tpu.memory_space<semaphore_mem>>)
        %dma_wait3A = arith.constant 0 : i32
        %dma_wait3A_30 = tpu.memref_slice %arg3[%multiple_of3A_20, %dma_wait3A] : memref<2560x64xi32, #tpu.memory_space<hbm>> -> memref<40x64xi32, #tpu.memory_space<hbm>>
        %dma_wait3A_31 = arith.constant 0 : i32
        %dma_wait3A_32 = tpu.memref_slice %arg3[%multiple_of3A_20, %dma_wait3A_31] : memref<2560x64xi32, #tpu.memory_space<hbm>> -> memref<40x64xi32, #tpu.memory_space<hbm>>
        tpu.wait_dma2 semaphore(%run_scoped3A : memref<!tpu.dma_semaphore, #tpu.memory_space<semaphore_mem>>) src(%dma_wait3A_32 : memref<40x64xi32, #tpu.memory_space<hbm>>) dst(%arg7 : memref<40x64xi32, #tpu.memory_space<vmem>>)
        tpu.yield
      }) : () -> ()
      "tpu.region"() ({
        %run_scoped3A = tpu.sem_alloc : memref<!tpu.dma_semaphore, #tpu.memory_space<semaphore_mem>>
        %dma_start3A = arith.constant 0 : i32
        %dma_start3A_27 = tpu.memref_slice %arg4[%multiple_of3A_20, %dma_start3A] : memref<2560x64xi32, #tpu.memory_space<hbm>> -> memref<40x64xi32, #tpu.memory_space<hbm>>
        %dma_start3A_28 = arith.constant 0 : i32
        %dma_start3A_29 = tpu.memref_slice %arg4[%multiple_of3A_20, %dma_start3A_28] : memref<2560x64xi32, #tpu.memory_space<hbm>> -> memref<40x64xi32, #tpu.memory_space<hbm>>
        tpu.enqueue_dma source(%dma_start3A_29 : memref<40x64xi32, #tpu.memory_space<hbm>>) target(%arg8 : memref<40x64xi32, #tpu.memory_space<vmem>>) target_semaphore(%run_scoped3A : memref<!tpu.dma_semaphore, #tpu.memory_space<semaphore_mem>>)
        %dma_wait3A = arith.constant 0 : i32
        %dma_wait3A_30 = tpu.memref_slice %arg4[%multiple_of3A_20, %dma_wait3A] : memref<2560x64xi32, #tpu.memory_space<hbm>> -> memref<40x64xi32, #tpu.memory_space<hbm>>
        %dma_wait3A_31 = arith.constant 0 : i32
        %dma_wait3A_32 = tpu.memref_slice %arg4[%multiple_of3A_20, %dma_wait3A_31] : memref<2560x64xi32, #tpu.memory_space<hbm>> -> memref<40x64xi32, #tpu.memory_space<hbm>>
        tpu.wait_dma2 semaphore(%run_scoped3A : memref<!tpu.dma_semaphore, #tpu.memory_space<semaphore_mem>>) src(%dma_wait3A_32 : memref<40x64xi32, #tpu.memory_space<hbm>>) dst(%arg8 : memref<40x64xi32, #tpu.memory_space<vmem>>)
        tpu.yield
      }) : () -> ()
      %scan3A_21 = arith.constant 0 : i32
      %scan3A_22 = arith.constant 10 : i32
      %scan3A_23 = arith.addi %scan3A_21, %scan3A_22 : i32
      %scan3A_24 = arith.constant 1 : i32
      scf.for %scan3A_27 = %scan3A_21 to %scan3A_23 step %scan3A_24  : i32 {
        %mul3A_28 = arith.constant 4 : i32
        %mul3A_29 = arith.muli %scan3A_27, %mul3A_28 : i32
        %add3A_30 = arith.constant 0 : i32
        %add3A_31 = arith.addi %add3A_30, %mul3A_29 : i32
        %add3A_32 = arith.constant 0 : i32
        %add3A_33 = arith.addi %add3A_31, %add3A_32 : i32
        %dma_start3A = arith.constant 0 : i32
        %dma_start3A_34 = tpu.memref_slice %arg7[%add3A_33, %dma_start3A] : memref<40x64xi32, #tpu.memory_space<vmem>> -> memref<1x64xi32, #tpu.memory_space<vmem>>
        %dma_start3A_35 = tpu.memref_squeeze %dma_start3A_34 : memref<1x64xi32, #tpu.memory_space<vmem>> -> memref<64xi32, #tpu.memory_space<vmem>>
        %dma_start3A_36 = arith.constant 0 : i32
        %dma_start3A_37 = arith.constant 0 : i32
        %dma_start3A_38 = tpu.memref_slice %arg2[%dma_start3A_36, %dma_start3A_37] : memref<10240x128xf32, #tpu.memory_space<hbm>> -> memref<10240x128xf32, #tpu.memory_space<hbm>>
        tpu.enqueue_indirect_dma source(%dma_start3A_38 : memref<10240x128xf32, #tpu.memory_space<hbm>>) target(%arg9 : memref<64x128xf32, #tpu.memory_space<vmem>>) offsets(%dma_start3A_35 : memref<64xi32, #tpu.memory_space<vmem>>) semaphore(%arg14 : memref<!tpu.dma_semaphore, #tpu.memory_space<semaphore_mem>>)
        %add3A_39 = arith.constant 1 : i32
        %add3A_40 = arith.addi %add3A_31, %add3A_39 : i32
        %dma_start3A_41 = arith.constant 0 : i32
        %dma_start3A_42 = tpu.memref_slice %arg7[%add3A_40, %dma_start3A_41] : memref<40x64xi32, #tpu.memory_space<vmem>> -> memref<1x64xi32, #tpu.memory_space<vmem>>
        %dma_start3A_43 = tpu.memref_squeeze %dma_start3A_42 : memref<1x64xi32, #tpu.memory_space<vmem>> -> memref<64xi32, #tpu.memory_space<vmem>>
        %dma_start3A_44 = arith.constant 0 : i32
        %dma_start3A_45 = arith.constant 0 : i32
        %dma_start3A_46 = tpu.memref_slice %arg2[%dma_start3A_44, %dma_start3A_45] : memref<10240x128xf32, #tpu.memory_space<hbm>> -> memref<10240x128xf32, #tpu.memory_space<hbm>>
        tpu.enqueue_indirect_dma source(%dma_start3A_46 : memref<10240x128xf32, #tpu.memory_space<hbm>>) target(%arg10 : memref<64x128xf32, #tpu.memory_space<vmem>>) offsets(%dma_start3A_43 : memref<64xi32, #tpu.memory_space<vmem>>) semaphore(%arg15 : memref<!tpu.dma_semaphore, #tpu.memory_space<semaphore_mem>>)
        %add3A_47 = arith.constant 2 : i32
        %add3A_48 = arith.addi %add3A_31, %add3A_47 : i32
        %dma_start3A_49 = arith.constant 0 : i32
        %dma_start3A_50 = tpu.memref_slice %arg7[%add3A_48, %dma_start3A_49] : memref<40x64xi32, #tpu.memory_space<vmem>> -> memref<1x64xi32, #tpu.memory_space<vmem>>
        %dma_start3A_51 = tpu.memref_squeeze %dma_start3A_50 : memref<1x64xi32, #tpu.memory_space<vmem>> -> memref<64xi32, #tpu.memory_space<vmem>>
        %dma_start3A_52 = arith.constant 0 : i32
        %dma_start3A_53 = arith.constant 0 : i32
        %dma_start3A_54 = tpu.memref_slice %arg2[%dma_start3A_52, %dma_start3A_53] : memref<10240x128xf32, #tpu.memory_space<hbm>> -> memref<10240x128xf32, #tpu.memory_space<hbm>>
        tpu.enqueue_indirect_dma source(%dma_start3A_54 : memref<10240x128xf32, #tpu.memory_space<hbm>>) target(%arg11 : memref<64x128xf32, #tpu.memory_space<vmem>>) offsets(%dma_start3A_51 : memref<64xi32, #tpu.memory_space<vmem>>) semaphore(%arg16 : memref<!tpu.dma_semaphore, #tpu.memory_space<semaphore_mem>>)
        %add3A_55 = arith.constant 3 : i32
        %add3A_56 = arith.addi %add3A_31, %add3A_55 : i32
        %dma_start3A_57 = arith.constant 0 : i32
        %dma_start3A_58 = tpu.memref_slice %arg7[%add3A_56, %dma_start3A_57] : memref<40x64xi32, #tpu.memory_space<vmem>> -> memref<1x64xi32, #tpu.memory_space<vmem>>
        %dma_start3A_59 = tpu.memref_squeeze %dma_start3A_58 : memref<1x64xi32, #tpu.memory_space<vmem>> -> memref<64xi32, #tpu.memory_space<vmem>>
        %dma_start3A_60 = arith.constant 0 : i32
        %dma_start3A_61 = arith.constant 0 : i32
        %dma_start3A_62 = tpu.memref_slice %arg2[%dma_start3A_60, %dma_start3A_61] : memref<10240x128xf32, #tpu.memory_space<hbm>> -> memref<10240x128xf32, #tpu.memory_space<hbm>>
        tpu.enqueue_indirect_dma source(%dma_start3A_62 : memref<10240x128xf32, #tpu.memory_space<hbm>>) target(%arg12 : memref<64x128xf32, #tpu.memory_space<vmem>>) offsets(%dma_start3A_59 : memref<64xi32, #tpu.memory_space<vmem>>) semaphore(%arg17 : memref<!tpu.dma_semaphore, #tpu.memory_space<semaphore_mem>>)
        %dma_wait3A = arith.constant 0 : i32
        %dma_wait3A_63 = tpu.memref_slice %arg7[%add3A_33, %dma_wait3A] : memref<40x64xi32, #tpu.memory_space<vmem>> -> memref<1x64xi32, #tpu.memory_space<vmem>>
        %dma_wait3A_64 = tpu.memref_squeeze %dma_wait3A_63 : memref<1x64xi32, #tpu.memory_space<vmem>> -> memref<64xi32, #tpu.memory_space<vmem>>
        %dma_wait3A_65 = arith.constant 0 : i32
        %dma_wait3A_66 = arith.constant 0 : i32
        %dma_wait3A_67 = tpu.memref_slice %arg2[%dma_wait3A_65, %dma_wait3A_66] : memref<10240x128xf32, #tpu.memory_space<hbm>> -> memref<10240x128xf32, #tpu.memory_space<hbm>>
        tpu.wait_indirect_dma semaphore(%arg14 : memref<!tpu.dma_semaphore, #tpu.memory_space<semaphore_mem>>) src(%dma_wait3A_67 : memref<10240x128xf32, #tpu.memory_space<hbm>>) dst(%arg9 : memref<64x128xf32, #tpu.memory_space<vmem>>)
        %add3A_68 = arith.constant 0 : i32
        %add3A_69 = arith.addi %add3A_31, %add3A_68 : i32
        "tpu.region"() ({
          %run_scoped3A = tpu.sem_alloc : memref<!tpu.dma_semaphore, #tpu.memory_space<semaphore_mem>>
          %dma_start3A_94 = arith.constant 0 : i32
          %dma_start3A_95 = tpu.memref_slice %arg8[%add3A_69, %dma_start3A_94] : memref<40x64xi32, #tpu.memory_space<vmem>> -> memref<1x64xi32, #tpu.memory_space<vmem>>
          %dma_start3A_96 = tpu.memref_squeeze %dma_start3A_95 : memref<1x64xi32, #tpu.memory_space<vmem>> -> memref<64xi32, #tpu.memory_space<vmem>>
          %dma_start3A_97 = arith.constant 0 : i32
          %dma_start3A_98 = arith.constant 0 : i32
          %dma_start3A_99 = tpu.memref_slice %arg13[%dma_start3A_97, %dma_start3A_98] : memref<10240x128xf32, #tpu.memory_space<vmem_shared>> -> memref<10240x128xf32, #tpu.memory_space<vmem_shared>>
          tpu.enqueue_indirect_dma source(%arg9 : memref<64x128xf32, #tpu.memory_space<vmem>>) target(%dma_start3A_99 : memref<10240x128xf32, #tpu.memory_space<vmem_shared>>) offsets(%dma_start3A_96 : memref<64xi32, #tpu.memory_space<vmem>>) semaphore(%run_scoped3A : memref<!tpu.dma_semaphore, #tpu.memory_space<semaphore_mem>>) {add = true}
          %dma_wait3A_100 = arith.constant 0 : i32
          %dma_wait3A_101 = tpu.memref_slice %arg8[%add3A_69, %dma_wait3A_100] : memref<40x64xi32, #tpu.memory_space<vmem>> -> memref<1x64xi32, #tpu.memory_space<vmem>>
          %dma_wait3A_102 = tpu.memref_squeeze %dma_wait3A_101 : memref<1x64xi32, #tpu.memory_space<vmem>> -> memref<64xi32, #tpu.memory_space<vmem>>
          %dma_wait3A_103 = arith.constant 0 : i32
          %dma_wait3A_104 = arith.constant 0 : i32
          %dma_wait3A_105 = tpu.memref_slice %arg13[%dma_wait3A_103, %dma_wait3A_104] : memref<10240x128xf32, #tpu.memory_space<vmem_shared>> -> memref<10240x128xf32, #tpu.memory_space<vmem_shared>>
          tpu.wait_indirect_dma semaphore(%run_scoped3A : memref<!tpu.dma_semaphore, #tpu.memory_space<semaphore_mem>>) src(%arg9 : memref<64x128xf32, #tpu.memory_space<vmem>>) dst(%dma_wait3A_105 : memref<10240x128xf32, #tpu.memory_space<vmem_shared>>)
          tpu.yield
        }) : () -> ()
        %dma_wait3A_70 = arith.constant 0 : i32
        %dma_wait3A_71 = tpu.memref_slice %arg7[%add3A_40, %dma_wait3A_70] : memref<40x64xi32, #tpu.memory_space<vmem>> -> memref<1x64xi32, #tpu.memory_space<vmem>>
        %dma_wait3A_72 = tpu.memref_squeeze %dma_wait3A_71 : memref<1x64xi32, #tpu.memory_space<vmem>> -> memref<64xi32, #tpu.memory_space<vmem>>
        %dma_wait3A_73 = arith.constant 0 : i32
        %dma_wait3A_74 = arith.constant 0 : i32
        %dma_wait3A_75 = tpu.memref_slice %arg2[%dma_wait3A_73, %dma_wait3A_74] : memref<10240x128xf32, #tpu.memory_space<hbm>> -> memref<10240x128xf32, #tpu.memory_space<hbm>>
        tpu.wait_indirect_dma semaphore(%arg15 : memref<!tpu.dma_semaphore, #tpu.memory_space<semaphore_mem>>) src(%dma_wait3A_75 : memref<10240x128xf32, #tpu.memory_space<hbm>>) dst(%arg10 : memref<64x128xf32, #tpu.memory_space<vmem>>)
        %add3A_76 = arith.constant 1 : i32
        %add3A_77 = arith.addi %add3A_31, %add3A_76 : i32
        "tpu.region"() ({
          %run_scoped3A = tpu.sem_alloc : memref<!tpu.dma_semaphore, #tpu.memory_space<semaphore_mem>>
          %dma_start3A_94 = arith.constant 0 : i32
          %dma_start3A_95 = tpu.memref_slice %arg8[%add3A_77, %dma_start3A_94] : memref<40x64xi32, #tpu.memory_space<vmem>> -> memref<1x64xi32, #tpu.memory_space<vmem>>
          %dma_start3A_96 = tpu.memref_squeeze %dma_start3A_95 : memref<1x64xi32, #tpu.memory_space<vmem>> -> memref<64xi32, #tpu.memory_space<vmem>>
          %dma_start3A_97 = arith.constant 0 : i32
          %dma_start3A_98 = arith.constant 0 : i32
          %dma_start3A_99 = tpu.memref_slice %arg13[%dma_start3A_97, %dma_start3A_98] : memref<10240x128xf32, #tpu.memory_space<vmem_shared>> -> memref<10240x128xf32, #tpu.memory_space<vmem_shared>>
          tpu.enqueue_indirect_dma source(%arg10 : memref<64x128xf32, #tpu.memory_space<vmem>>) target(%dma_start3A_99 : memref<10240x128xf32, #tpu.memory_space<vmem_shared>>) offsets(%dma_start3A_96 : memref<64xi32, #tpu.memory_space<vmem>>) semaphore(%run_scoped3A : memref<!tpu.dma_semaphore, #tpu.memory_space<semaphore_mem>>) {add = true}
          %dma_wait3A_100 = arith.constant 0 : i32
          %dma_wait3A_101 = tpu.memref_slice %arg8[%add3A_77, %dma_wait3A_100] : memref<40x64xi32, #tpu.memory_space<vmem>> -> memref<1x64xi32, #tpu.memory_space<vmem>>
          %dma_wait3A_102 = tpu.memref_squeeze %dma_wait3A_101 : memref<1x64xi32, #tpu.memory_space<vmem>> -> memref<64xi32, #tpu.memory_space<vmem>>
          %dma_wait3A_103 = arith.constant 0 : i32
          %dma_wait3A_104 = arith.constant 0 : i32
          %dma_wait3A_105 = tpu.memref_slice %arg13[%dma_wait3A_103, %dma_wait3A_104] : memref<10240x128xf32, #tpu.memory_space<vmem_shared>> -> memref<10240x128xf32, #tpu.memory_space<vmem_shared>>
          tpu.wait_indirect_dma semaphore(%run_scoped3A : memref<!tpu.dma_semaphore, #tpu.memory_space<semaphore_mem>>) src(%arg10 : memref<64x128xf32, #tpu.memory_space<vmem>>) dst(%dma_wait3A_105 : memref<10240x128xf32, #tpu.memory_space<vmem_shared>>)
          tpu.yield
        }) : () -> ()
        %dma_wait3A_78 = arith.constant 0 : i32
        %dma_wait3A_79 = tpu.memref_slice %arg7[%add3A_48, %dma_wait3A_78] : memref<40x64xi32, #tpu.memory_space<vmem>> -> memref<1x64xi32, #tpu.memory_space<vmem>>
        %dma_wait3A_80 = tpu.memref_squeeze %dma_wait3A_79 : memref<1x64xi32, #tpu.memory_space<vmem>> -> memref<64xi32, #tpu.memory_space<vmem>>
        %dma_wait3A_81 = arith.constant 0 : i32
        %dma_wait3A_82 = arith.constant 0 : i32
        %dma_wait3A_83 = tpu.memref_slice %arg2[%dma_wait3A_81, %dma_wait3A_82] : memref<10240x128xf32, #tpu.memory_space<hbm>> -> memref<10240x128xf32, #tpu.memory_space<hbm>>
        tpu.wait_indirect_dma semaphore(%arg16 : memref<!tpu.dma_semaphore, #tpu.memory_space<semaphore_mem>>) src(%dma_wait3A_83 : memref<10240x128xf32, #tpu.memory_space<hbm>>) dst(%arg11 : memref<64x128xf32, #tpu.memory_space<vmem>>)
        %add3A_84 = arith.constant 2 : i32
        %add3A_85 = arith.addi %add3A_31, %add3A_84 : i32
        "tpu.region"() ({
          %run_scoped3A = tpu.sem_alloc : memref<!tpu.dma_semaphore, #tpu.memory_space<semaphore_mem>>
          %dma_start3A_94 = arith.constant 0 : i32
          %dma_start3A_95 = tpu.memref_slice %arg8[%add3A_85, %dma_start3A_94] : memref<40x64xi32, #tpu.memory_space<vmem>> -> memref<1x64xi32, #tpu.memory_space<vmem>>
          %dma_start3A_96 = tpu.memref_squeeze %dma_start3A_95 : memref<1x64xi32, #tpu.memory_space<vmem>> -> memref<64xi32, #tpu.memory_space<vmem>>
          %dma_start3A_97 = arith.constant 0 : i32
          %dma_start3A_98 = arith.constant 0 : i32
          %dma_start3A_99 = tpu.memref_slice %arg13[%dma_start3A_97, %dma_start3A_98] : memref<10240x128xf32, #tpu.memory_space<vmem_shared>> -> memref<10240x128xf32, #tpu.memory_space<vmem_shared>>
          tpu.enqueue_indirect_dma source(%arg11 : memref<64x128xf32, #tpu.memory_space<vmem>>) target(%dma_start3A_99 : memref<10240x128xf32, #tpu.memory_space<vmem_shared>>) offsets(%dma_start3A_96 : memref<64xi32, #tpu.memory_space<vmem>>) semaphore(%run_scoped3A : memref<!tpu.dma_semaphore, #tpu.memory_space<semaphore_mem>>) {add = true}
          %dma_wait3A_100 = arith.constant 0 : i32
          %dma_wait3A_101 = tpu.memref_slice %arg8[%add3A_85, %dma_wait3A_100] : memref<40x64xi32, #tpu.memory_space<vmem>> -> memref<1x64xi32, #tpu.memory_space<vmem>>
          %dma_wait3A_102 = tpu.memref_squeeze %dma_wait3A_101 : memref<1x64xi32, #tpu.memory_space<vmem>> -> memref<64xi32, #tpu.memory_space<vmem>>
          %dma_wait3A_103 = arith.constant 0 : i32
          %dma_wait3A_104 = arith.constant 0 : i32
          %dma_wait3A_105 = tpu.memref_slice %arg13[%dma_wait3A_103, %dma_wait3A_104] : memref<10240x128xf32, #tpu.memory_space<vmem_shared>> -> memref<10240x128xf32, #tpu.memory_space<vmem_shared>>
          tpu.wait_indirect_dma semaphore(%run_scoped3A : memref<!tpu.dma_semaphore, #tpu.memory_space<semaphore_mem>>) src(%arg11 : memref<64x128xf32, #tpu.memory_space<vmem>>) dst(%dma_wait3A_105 : memref<10240x128xf32, #tpu.memory_space<vmem_shared>>)
          tpu.yield
        }) : () -> ()
        %dma_wait3A_86 = arith.constant 0 : i32
        %dma_wait3A_87 = tpu.memref_slice %arg7[%add3A_56, %dma_wait3A_86] : memref<40x64xi32, #tpu.memory_space<vmem>> -> memref<1x64xi32, #tpu.memory_space<vmem>>
        %dma_wait3A_88 = tpu.memref_squeeze %dma_wait3A_87 : memref<1x64xi32, #tpu.memory_space<vmem>> -> memref<64xi32, #tpu.memory_space<vmem>>
        %dma_wait3A_89 = arith.constant 0 : i32
        %dma_wait3A_90 = arith.constant 0 : i32
        %dma_wait3A_91 = tpu.memref_slice %arg2[%dma_wait3A_89, %dma_wait3A_90] : memref<10240x128xf32, #tpu.memory_space<hbm>> -> memref<10240x128xf32, #tpu.memory_space<hbm>>
        tpu.wait_indirect_dma semaphore(%arg17 : memref<!tpu.dma_semaphore, #tpu.memory_space<semaphore_mem>>) src(%dma_wait3A_91 : memref<10240x128xf32, #tpu.memory_space<hbm>>) dst(%arg12 : memref<64x128xf32, #tpu.memory_space<vmem>>)
        %add3A_92 = arith.constant 3 : i32
        %add3A_93 = arith.addi %add3A_31, %add3A_92 : i32
        "tpu.region"() ({
          %run_scoped3A = tpu.sem_alloc : memref<!tpu.dma_semaphore, #tpu.memory_space<semaphore_mem>>
          %dma_start3A_94 = arith.constant 0 : i32
          %dma_start3A_95 = tpu.memref_slice %arg8[%add3A_93, %dma_start3A_94] : memref<40x64xi32, #tpu.memory_space<vmem>> -> memref<1x64xi32, #tpu.memory_space<vmem>>
          %dma_start3A_96 = tpu.memref_squeeze %dma_start3A_95 : memref<1x64xi32, #tpu.memory_space<vmem>> -> memref<64xi32, #tpu.memory_space<vmem>>
          %dma_start3A_97 = arith.constant 0 : i32
          %dma_start3A_98 = arith.constant 0 : i32
          %dma_start3A_99 = tpu.memref_slice %arg13[%dma_start3A_97, %dma_start3A_98] : memref<10240x128xf32, #tpu.memory_space<vmem_shared>> -> memref<10240x128xf32, #tpu.memory_space<vmem_shared>>
          tpu.enqueue_indirect_dma source(%arg12 : memref<64x128xf32, #tpu.memory_space<vmem>>) target(%dma_start3A_99 : memref<10240x128xf32, #tpu.memory_space<vmem_shared>>) offsets(%dma_start3A_96 : memref<64xi32, #tpu.memory_space<vmem>>) semaphore(%run_scoped3A : memref<!tpu.dma_semaphore, #tpu.memory_space<semaphore_mem>>) {add = true}
          %dma_wait3A_100 = arith.constant 0 : i32
          %dma_wait3A_101 = tpu.memref_slice %arg8[%add3A_93, %dma_wait3A_100] : memref<40x64xi32, #tpu.memory_space<vmem>> -> memref<1x64xi32, #tpu.memory_space<vmem>>
          %dma_wait3A_102 = tpu.memref_squeeze %dma_wait3A_101 : memref<1x64xi32, #tpu.memory_space<vmem>> -> memref<64xi32, #tpu.memory_space<vmem>>
          %dma_wait3A_103 = arith.constant 0 : i32
          %dma_wait3A_104 = arith.constant 0 : i32
          %dma_wait3A_105 = tpu.memref_slice %arg13[%dma_wait3A_103, %dma_wait3A_104] : memref<10240x128xf32, #tpu.memory_space<vmem_shared>> -> memref<10240x128xf32, #tpu.memory_space<vmem_shared>>
          tpu.wait_indirect_dma semaphore(%run_scoped3A : memref<!tpu.dma_semaphore, #tpu.memory_space<semaphore_mem>>) src(%arg12 : memref<64x128xf32, #tpu.memory_space<vmem>>) dst(%dma_wait3A_105 : memref<10240x128xf32, #tpu.memory_space<vmem_shared>>)
          tpu.yield
        }) : () -> ()
      }
      %scan3A_25 = arith.constant 10 : i32
      %scan3A_26 = arith.constant 1 : i32
    } else {
    }
    %barrier3A_8 = arith.constant 0 : index
    tpu.barrier barrier_id(%barrier3A_8)
    "tpu.region"() ({
      %run_scoped3A = tpu.sem_alloc : memref<!tpu.dma_semaphore, #tpu.memory_space<semaphore_mem>>
      %dma_start3A = arith.constant 0 : i32
      %dma_start3A_9 = arith.constant 0 : i32
      %dma_start3A_10 = tpu.memref_slice %arg6[%arg0, %dma_start3A, %dma_start3A_9] : memref<2x10240x128xf32, #tpu.memory_space<hbm>> -> memref<1x10240x128xf32, #tpu.memory_space<hbm>>
      %dma_start3A_11 = tpu.memref_squeeze %dma_start3A_10 : memref<1x10240x128xf32, #tpu.memory_space<hbm>> -> memref<10240x128xf32, #tpu.memory_space<hbm>>
      %dma_start3A_12 = arith.constant 0 : i32
      %dma_start3A_13 = tpu.memref_slice %dma_start3A_11[%multiple_of3A, %dma_start3A_12] : memref<10240x128xf32, #tpu.memory_space<hbm>> -> memref<640x128xf32, #tpu.memory_space<hbm>>
      %dma_start3A_14 = arith.constant 0 : i32
      %dma_start3A_15 = tpu.memref_slice %arg13[%multiple_of3A, %dma_start3A_14] : memref<10240x128xf32, #tpu.memory_space<vmem_shared>> -> memref<640x128xf32, #tpu.memory_space<vmem_shared>>
      tpu.enqueue_dma source(%dma_start3A_15 : memref<640x128xf32, #tpu.memory_space<vmem_shared>>) target(%dma_start3A_13 : memref<640x128xf32, #tpu.memory_space<hbm>>) target_semaphore(%run_scoped3A : memref<!tpu.dma_semaphore, #tpu.memory_space<semaphore_mem>>)
      %dma_wait3A = arith.constant 0 : i32
      %dma_wait3A_16 = arith.constant 0 : i32
      %dma_wait3A_17 = tpu.memref_slice %arg6[%arg0, %dma_wait3A, %dma_wait3A_16] : memref<2x10240x128xf32, #tpu.memory_space<hbm>> -> memref<1x10240x128xf32, #tpu.memory_space<hbm>>
      %dma_wait3A_18 = tpu.memref_squeeze %dma_wait3A_17 : memref<1x10240x128xf32, #tpu.memory_space<hbm>> -> memref<10240x128xf32, #tpu.memory_space<hbm>>
      %dma_wait3A_19 = arith.constant 0 : i32
      %dma_wait3A_20 = tpu.memref_slice %dma_wait3A_18[%multiple_of3A, %dma_wait3A_19] : memref<10240x128xf32, #tpu.memory_space<hbm>> -> memref<640x128xf32, #tpu.memory_space<hbm>>
      %dma_wait3A_21 = arith.constant 0 : i32
      %dma_wait3A_22 = tpu.memref_slice %arg13[%multiple_of3A, %dma_wait3A_21] : memref<10240x128xf32, #tpu.memory_space<vmem_shared>> -> memref<640x128xf32, #tpu.memory_space<vmem_shared>>
      tpu.wait_dma2 semaphore(%run_scoped3A : memref<!tpu.dma_semaphore, #tpu.memory_space<semaphore_mem>>) src(%dma_wait3A_22 : memref<640x128xf32, #tpu.memory_space<vmem_shared>>) dst(%dma_wait3A_20 : memref<640x128xf32, #tpu.memory_space<hbm>>)
      tpu.yield
    }) : () -> ()
    return
  }
}

module attributes {stable_mosaic.version = 14 : i64} {
  func.func @_matmul_body(%arg0: i32, %arg1: memref<1024x256xf32, #tpu.memory_space<vmem>>, %arg2: memref<256x256xf32, #tpu.memory_space<vmem>>, %arg3: memref<1024x256xf32, #tpu.memory_space<vmem>>) attributes {dimension_semantics = [#tpu.dimension_semantics<arbitrary>], iteration_bounds = array<i64: 10>, scalar_prefetch = 0 : i64, scratch_operands = 0 : i64, tpu.core_type = #tpu.core_type<tc>, window_params = [{transform_indices = @transform_0, window_bounds = array<i64: 1024, 256>}, {pipeline_mode = #tpu.pipeline_mode<synchronous>, transform_indices = @transform_1, window_bounds = array<i64: 256, 256>}, {transform_indices = @transform_2, window_bounds = array<i64: 1024, 256>}]} {
    %get3A = arith.constant 0 : index
    %get3A_0 = arith.constant 0 : index
    %get3A_1 = vector.load %arg1[%get3A, %get3A_0] : memref<1024x256xf32, #tpu.memory_space<vmem>>, vector<1024x256xf32>
    %get3A_2 = arith.constant 0 : index
    %get3A_3 = arith.constant 0 : index
    %get3A_4 = vector.load %arg2[%get3A_2, %get3A_3] : memref<256x256xf32, #tpu.memory_space<vmem>>, vector<256x256xf32>
    %dot_general3A = arith.constant dense<0.000000e+00> : vector<1024x256xf32>
    %dot_general3A_5 = tpu.matmul %get3A_1, %get3A_4, %dot_general3A {dimension_numbers = #tpu.dot_dimension_numbers<[1], [0], [0], [1], [0, 0, 1, 1], [], []>, precision = #tpu.contract_precision<fp32>, transpose_lhs_hint = false} : vector<1024x256xf32>, vector<256x256xf32>, vector<1024x256xf32> -> vector<1024x256xf32>
    %swap3A = arith.constant 0 : index
    %swap3A_6 = arith.constant 0 : index
    %swap3A_7 = vector.load %arg3[%swap3A, %swap3A_6] : memref<1024x256xf32, #tpu.memory_space<vmem>>, vector<1024x256xf32>
    tpu.vector_store %arg3[%swap3A, %swap3A_6], %dot_general3A_5 {strides = array<i32>} : memref<1024x256xf32, #tpu.memory_space<vmem>>, vector<1024x256xf32>,
    return
  }
  func.func @transform_0(%arg0: i32) -> (i32, i32) {
    %c0_i32 = arith.constant 0 : i32
    %c0_i32_0 = arith.constant 0 : i32
    return %arg0, %c0_i32 : i32, i32
  }
  func.func @transform_1(%arg0: i32) -> (i32, i32) {
    %c0_i32 = arith.constant 0 : i32
    %c0_i32_0 = arith.constant 0 : i32
    %c0_i32_1 = arith.constant 0 : i32
    return %c0_i32, %c0_i32_0 : i32, i32
  }
  func.func @transform_2(%arg0: i32) -> (i32, i32) {
    %c0_i32 = arith.constant 0 : i32
    %c0_i32_0 = arith.constant 0 : i32
    return %arg0, %c0_i32 : i32, i32
  }
}

module attributes {stable_mosaic.version = 14 : i64} {
  func.func @_scale_body(%arg0: i32, %arg1: i32, %arg2: memref<1024x128xf32, #tpu.memory_space<vmem>>, %arg3: memref<2x1024x128xf32, #tpu.memory_space<vmem>>, %arg4: memref<1x1024x128xf32, #tpu.memory_space<vmem>>) attributes {dimension_semantics = [#tpu.dimension_semantics<arbitrary>, #tpu.dimension_semantics<arbitrary>], iteration_bounds = array<i64: 10, 2>, scalar_prefetch = 0 : i64, scratch_operands = 0 : i64, tpu.core_type = #tpu.core_type<tc>, window_params = [{transform_indices = @transform_0, window_bounds = array<i64: 1024, 128>}, {transform_indices = @transform_1, window_bounds = array<i64: 2, 1024, 128>}, {transform_indices = @transform_2, window_bounds = array<i64: 1, 1024, 128>}]} {
    %get3A = arith.constant 0 : index
    %get3A_0 = arith.constant 0 : index
    %get3A_1 = arith.constant 0 : index
    %get3A_2 = vector.load %arg3[%get3A, %get3A_0, %get3A_1] : memref<2x1024x128xf32, #tpu.memory_space<vmem>>, vector<2x1024x128xf32>
    %slice3A = vector.extract_strided_slice %get3A_2 {offsets = [0, 0, 0], sizes = [1, 1024, 1], strides = [1, 1, 1]} : vector<2x1024x128xf32> to vector<1x1024x1xf32>
    %squeeze3A = vector.shape_cast %slice3A : vector<1x1024x1xf32> to vector<1024xf32>
    %slice3A_3 = vector.extract_strided_slice %get3A_2 {offsets = [1, 0, 0], sizes = [1, 1024, 1], strides = [1, 1, 1]} : vector<2x1024x128xf32> to vector<1x1024x1xf32>
    %squeeze3A_4 = vector.shape_cast %slice3A_3 : vector<1x1024x1xf32> to vector<1024xf32>
    %add3A = arith.addf %squeeze3A, %squeeze3A_4 : vector<1024xf32>
    %add3A_5 = arith.constant 1.000000e+00 : f32
    %add3A_6 = vector.broadcast %add3A_5 : f32 to vector<1024xf32>
    %add3A_7 = arith.addf %add3A, %add3A_6 : vector<1024xf32>
    %rsqrt3A = math.rsqrt %add3A_7 : vector<1024xf32>
    %get3A_8 = arith.constant 0 : index
    %get3A_9 = arith.constant 0 : index
    %get3A_10 = vector.load %arg2[%get3A_8, %get3A_9] : memref<1024x128xf32, #tpu.memory_space<vmem>>, vector<1024x128xf32>
    %broadcast_in_dim3A = vector.shape_cast %rsqrt3A : vector<1024xf32> to vector<1024x1xf32>
    %mul3A = vector.broadcast %broadcast_in_dim3A : vector<1024x1xf32> to vector<1024x128xf32>
    %mul3A_11 = arith.mulf %get3A_10, %mul3A : vector<1024x128xf32>
    %swap3A = arith.constant 0 : index
    %swap3A_12 = arith.constant 0 : index
    %swap3A_13 = arith.constant 0 : index
    %swap3A_14 = vector.load %arg4[%swap3A, %swap3A_12, %swap3A_13] : memref<1x1024x128xf32, #tpu.memory_space<vmem>>, vector<1x1024x128xf32>
    %swap3A_15 = vector.shape_cast %swap3A_14 : vector<1x1024x128xf32> to vector<1024x128xf32>
    %swap3A_16 = vector.shape_cast %mul3A_11 : vector<1024x128xf32> to vector<1x1024x128xf32>
    tpu.vector_store %arg4[%swap3A, %swap3A_12, %swap3A_13], %swap3A_16 {strides = array<i32>} : memref<1x1024x128xf32, #tpu.memory_space<vmem>>, vector<1x1024x128xf32>,
    return
  }
  func.func @transform_0(%arg0: i32, %arg1: i32) -> (i32, i32) {
    %c0_i32 = arith.constant 0 : i32
    return %arg0, %arg1 : i32, i32
  }
  func.func @transform_1(%arg0: i32, %arg1: i32) -> (i32, i32, i32) {
    %c0_i32 = arith.constant 0 : i32
    %c0_i32_0 = arith.constant 0 : i32
    %c0_i32_1 = arith.constant 0 : i32
    return %c0_i32, %arg0, %c0_i32_0 : i32, i32, i32
  }
  func.func @transform_2(%arg0: i32, %arg1: i32) -> (i32, i32, i32) {
    %c0_i32 = arith.constant 0 : i32
    %c0_i32_0 = arith.constant 0 : i32
    return %arg1, %arg0, %c0_i32 : i32, i32, i32
  }
}

module attributes {stable_mosaic.version = 14 : i64} {
  func.func @_mid_body(%arg0: i32, %arg1: memref<2x1024x128xf32, #tpu.memory_space<vmem>>, %arg2: memref<2x1024x128xf32, #tpu.memory_space<vmem>>, %arg3: memref<2x1024x128xf32, #tpu.memory_space<vmem>>, %arg4: memref<1x256xf32, #tpu.memory_space<vmem>>, %arg5: memref<256x128xf32, #tpu.memory_space<vmem>>, %arg6: memref<1024x128xf32, #tpu.memory_space<vmem>>) attributes {dimension_semantics = [#tpu.dimension_semantics<arbitrary>], iteration_bounds = array<i64: 10>, scalar_prefetch = 0 : i64, scratch_operands = 0 : i64, tpu.core_type = #tpu.core_type<tc>, window_params = [{transform_indices = @transform_0, window_bounds = array<i64: 2, 1024, 128>}, {transform_indices = @transform_1, window_bounds = array<i64: 2, 1024, 128>}, {transform_indices = @transform_2, window_bounds = array<i64: 2, 1024, 128>}, {pipeline_mode = #tpu.pipeline_mode<synchronous>, transform_indices = @transform_3, window_bounds = array<i64: 1, 256>}, {pipeline_mode = #tpu.pipeline_mode<synchronous>, transform_indices = @transform_4, window_bounds = array<i64: 256, 128>}, {transform_indices = @transform_5, window_bounds = array<i64: 1024, 128>}]} {
    %get3A = arith.constant 0 : index
    %get3A_0 = arith.constant 0 : index
    %get3A_1 = arith.constant 0 : index
    %get3A_2 = vector.load %arg3[%get3A, %get3A_0, %get3A_1] : memref<2x1024x128xf32, #tpu.memory_space<vmem>>, vector<2x1024x128xf32>
    %slice3A = vector.extract_strided_slice %get3A_2 {offsets = [0, 0, 0], sizes = [1, 1024, 1], strides = [1, 1, 1]} : vector<2x1024x128xf32> to vector<1x1024x1xf32>
    %squeeze3A = vector.shape_cast %slice3A : vector<1x1024x1xf32> to vector<1024xf32>
    %slice3A_3 = vector.extract_strided_slice %get3A_2 {offsets = [1, 0, 0], sizes = [1, 1024, 1], strides = [1, 1, 1]} : vector<2x1024x128xf32> to vector<1x1024x1xf32>
    %squeeze3A_4 = vector.shape_cast %slice3A_3 : vector<1x1024x1xf32> to vector<1024xf32>
    %add3A = arith.addf %squeeze3A, %squeeze3A_4 : vector<1024xf32>
    %add3A_5 = arith.constant 1.000000e+00 : f32
    %add3A_6 = vector.broadcast %add3A_5 : f32 to vector<1024xf32>
    %add3A_7 = arith.addf %add3A, %add3A_6 : vector<1024xf32>
    %rsqrt3A = math.rsqrt %add3A_7 : vector<1024xf32>
    %get3A_8 = arith.constant 0 : index
    %get3A_9 = arith.constant 0 : index
    %get3A_10 = arith.constant 0 : index
    %get3A_11 = vector.load %arg1[%get3A_8, %get3A_9, %get3A_10] : memref<2x1024x128xf32, #tpu.memory_space<vmem>>, vector<1x1024x128xf32>
    %get3A_12 = vector.shape_cast %get3A_11 : vector<1x1024x128xf32> to vector<1024x128xf32>
    %get3A_13 = arith.constant 1 : index
    %get3A_14 = arith.constant 0 : index
    %get3A_15 = arith.constant 0 : index
    %get3A_16 = vector.load %arg1[%get3A_13, %get3A_14, %get3A_15] : memref<2x1024x128xf32, #tpu.memory_space<vmem>>, vector<1x1024x128xf32>
    %get3A_17 = vector.shape_cast %get3A_16 : vector<1x1024x128xf32> to vector<1024x128xf32>
    %concatenate3A = tpu.concatenate %get3A_12, %get3A_17 in 1 : vector<1024x128xf32>, vector<1024x128xf32> -> vector<1024x256xf32>
    %get3A_18 = arith.constant 0 : index
    %get3A_19 = arith.constant 0 : index
    %get3A_20 = arith.constant 0 : index
    %get3A_21 = vector.load %arg2[%get3A_18, %get3A_19, %get3A_20] : memref<2x1024x128xf32, #tpu.memory_space<vmem>>, vector<1x1024x128xf32>
    %get3A_22 = vector.shape_cast %get3A_21 : vector<1x1024x128xf32> to vector<1024x128xf32>
    %get3A_23 = arith.constant 1 : index
    %get3A_24 = arith.constant 0 : index
    %get3A_25 = arith.constant 0 : index
    %get3A_26 = vector.load %arg2[%get3A_23, %get3A_24, %get3A_25] : memref<2x1024x128xf32, #tpu.memory_space<vmem>>, vector<1x1024x128xf32>
    %get3A_27 = vector.shape_cast %get3A_26 : vector<1x1024x128xf32> to vector<1024x128xf32>
    %concatenate3A_28 = tpu.concatenate %get3A_22, %get3A_27 in 1 : vector<1024x128xf32>, vector<1024x128xf32> -> vector<1024x256xf32>
    %add3A_29 = arith.addf %concatenate3A, %concatenate3A_28 : vector<1024x256xf32>
    %broadcast_in_dim3A = vector.shape_cast %rsqrt3A : vector<1024xf32> to vector<1024x1xf32>
    %mul3A = vector.broadcast %broadcast_in_dim3A : vector<1024x1xf32> to vector<1024x256xf32>
    %mul3A_30 = arith.mulf %add3A_29, %mul3A : vector<1024x256xf32>
    %get3A_31 = arith.constant 0 : index
    %get3A_32 = arith.constant 0 : index
    %get3A_33 = vector.load %arg4[%get3A_31, %get3A_32] : memref<1x256xf32, #tpu.memory_space<vmem>>, vector<1x256xf32>
    %add3A_34 = vector.broadcast %get3A_33 : vector<1x256xf32> to vector<1024x256xf32>
    %add3A_35 = arith.addf %mul3A_30, %add3A_34 : vector<1024x256xf32>
    %max3A = arith.constant 0.000000e+00 : f32
    %max3A_36 = vector.broadcast %max3A : f32 to vector<1024x256xf32>
    %max3A_37 = arith.maximumf %add3A_35, %max3A_36 : vector<1024x256xf32>
    %get3A_38 = arith.constant 0 : index
    %get3A_39 = arith.constant 0 : index
    %get3A_40 = vector.load %arg5[%get3A_38, %get3A_39] : memref<256x128xf32, #tpu.memory_space<vmem>>, vector<256x128xf32>
    %dot_general3A = arith.constant dense<0.000000e+00> : vector<1024x128xf32>
    %dot_general3A_41 = tpu.matmul %max3A_37, %get3A_40, %dot_general3A {dimension_numbers = #tpu.dot_dimension_numbers<[1], [0], [0], [1], [0, 0, 1, 1], [], []>, precision = #tpu.contract_precision<fp32>, transpose_lhs_hint = false} : vector<1024x256xf32>, vector<256x128xf32>, vector<1024x128xf32> -> vector<1024x128xf32>
    %broadcast_in_dim3A_42 = vector.shape_cast %rsqrt3A : vector<1024xf32> to vector<1024x1xf32>
    %mul3A_43 = vector.broadcast %broadcast_in_dim3A_42 : vector<1024x1xf32> to vector<1024x128xf32>
    %mul3A_44 = arith.mulf %dot_general3A_41, %mul3A_43 : vector<1024x128xf32>
    %swap3A = arith.constant 0 : index
    %swap3A_45 = arith.constant 0 : index
    %swap3A_46 = vector.load %arg6[%swap3A, %swap3A_45] : memref<1024x128xf32, #tpu.memory_space<vmem>>, vector<1024x128xf32>
    tpu.vector_store %arg6[%swap3A, %swap3A_45], %mul3A_44 {strides = array<i32>} : memref<1024x128xf32, #tpu.memory_space<vmem>>, vector<1024x128xf32>,
    return
  }
  func.func @transform_0(%arg0: i32) -> (i32, i32, i32) {
    %c0_i32 = arith.constant 0 : i32
    %c0_i32_0 = arith.constant 0 : i32
    %c0_i32_1 = arith.constant 0 : i32
    return %c0_i32, %arg0, %c0_i32_0 : i32, i32, i32
  }
  func.func @transform_1(%arg0: i32) -> (i32, i32, i32) {
    %c0_i32 = arith.constant 0 : i32
    %c0_i32_0 = arith.constant 0 : i32
    %c0_i32_1 = arith.constant 0 : i32
    return %c0_i32, %arg0, %c0_i32_0 : i32, i32, i32
  }
  func.func @transform_2(%arg0: i32) -> (i32, i32, i32) {
    %c0_i32 = arith.constant 0 : i32
    %c0_i32_0 = arith.constant 0 : i32
    %c0_i32_1 = arith.constant 0 : i32
    return %c0_i32, %arg0, %c0_i32_0 : i32, i32, i32
  }
  func.func @transform_3(%arg0: i32) -> (i32, i32) {
    %c0_i32 = arith.constant 0 : i32
    %c0_i32_0 = arith.constant 0 : i32
    %c0_i32_1 = arith.constant 0 : i32
    return %c0_i32, %c0_i32_0 : i32, i32
  }
  func.func @transform_4(%arg0: i32) -> (i32, i32) {
    %c0_i32 = arith.constant 0 : i32
    %c0_i32_0 = arith.constant 0 : i32
    %c0_i32_1 = arith.constant 0 : i32
    return %c0_i32, %c0_i32_0 : i32, i32
  }
  func.func @transform_5(%arg0: i32) -> (i32, i32) {
    %c0_i32 = arith.constant 0 : i32
    %c0_i32_0 = arith.constant 0 : i32
    return %arg0, %c0_i32 : i32, i32
  }
}

module attributes {stable_mosaic.version = 14 : i64} {
  func.func @_pool_body(%arg0: i32, %arg1: memref<2x1000x128xf32, #tpu.memory_space<vmem>>, %arg2: memref<1000x128xf32, #tpu.memory_space<vmem>>, %arg3: memref<2x1000x128xf32, #tpu.memory_space<vmem>>, %arg4: memref<1x128xf32, #tpu.memory_space<vmem>>, %arg5: memref<1000x1xi32, #tpu.memory_space<vmem>>, %arg6: memref<64x128xf32, #tpu.memory_space<vmem>>, %arg7: memref<64x128xf32, #tpu.memory_space<vmem>>, %arg8: memref<1x64xf32, #tpu.memory_space<vmem>>) attributes {dimension_semantics = [#tpu.dimension_semantics<arbitrary>], iteration_bounds = array<i64: 10>, scalar_prefetch = 0 : i64, scratch_operands = 2 : i64, tpu.core_type = #tpu.core_type<tc>, window_params = [{transform_indices = @transform_0, window_bounds = array<i64: 2, 1000, 128>}, {transform_indices = @transform_1, window_bounds = array<i64: 1000, 128>}, {transform_indices = @transform_2, window_bounds = array<i64: 2, 1000, 128>}, {pipeline_mode = #tpu.pipeline_mode<synchronous>, transform_indices = @transform_3, window_bounds = array<i64: 1, 128>}, {transform_indices = @transform_4, window_bounds = array<i64: 1000, 1>}, {pipeline_mode = #tpu.pipeline_mode<synchronous>, transform_indices = @transform_5, window_bounds = array<i64: 64, 128>}]} {
    %eq3A = arith.constant 0 : i32
    %eq3A_0 = arith.cmpi eq, %arg0, %eq3A : i32
    %convert_element_type3A = arith.extui %eq3A_0 : i1 to i32
    %cond3A = arith.constant 0 : i32
    %cond3A_1 = arith.cmpi ne, %convert_element_type3A, %cond3A : i32
    scf.if %cond3A_1 {
      %broadcast_in_dim3A_62 = arith.constant 0.000000e+00 : f32
      %broadcast_in_dim3A_63 = vector.broadcast %broadcast_in_dim3A_62 : f32 to vector<64x128xf32>
      %swap3A_64 = arith.constant 0 : index
      %swap3A_65 = arith.constant 0 : index
      %swap3A_66 = vector.load %arg7[%swap3A_64, %swap3A_65] : memref<64x128xf32, #tpu.memory_space<vmem>>, vector<64x128xf32>
      tpu.vector_store %arg7[%swap3A_64, %swap3A_65], %broadcast_in_dim3A_63 {strides = array<i32>} : memref<64x128xf32, #tpu.memory_space<vmem>>, vector<64x128xf32>,
      %broadcast_in_dim3A_67 = arith.constant 0.000000e+00 : f32
      %broadcast_in_dim3A_68 = vector.broadcast %broadcast_in_dim3A_67 : f32 to vector<1x64xf32>
      %swap3A_69 = arith.constant 0 : index
      %swap3A_70 = arith.constant 0 : index
      %swap3A_71 = vector.load %arg8[%swap3A_69, %swap3A_70] : memref<1x64xf32, #tpu.memory_space<vmem>>, vector<1x64xf32>
      tpu.vector_store %arg8[%swap3A_69, %swap3A_70], %broadcast_in_dim3A_68 {strides = array<i32>} : memref<1x64xf32, #tpu.memory_space<vmem>>, vector<1x64xf32>,
    } else {
    }
    %get3A = arith.constant 0 : index
    %get3A_2 = arith.constant 0 : index
    %get3A_3 = arith.constant 0 : index
    %get3A_4 = vector.load %arg3[%get3A, %get3A_2, %get3A_3] : memref<2x1000x128xf32, #tpu.memory_space<vmem>>, vector<2x1000x128xf32>
    %slice3A = vector.extract_strided_slice %get3A_4 {offsets = [0, 0, 0], sizes = [1, 1000, 1], strides = [1, 1, 1]} : vector<2x1000x128xf32> to vector<1x1000x1xf32>
    %squeeze3A = vector.shape_cast %slice3A : vector<1x1000x1xf32> to vector<1000xf32>
    %slice3A_5 = vector.extract_strided_slice %get3A_4 {offsets = [1, 0, 0], sizes = [1, 1000, 1], strides = [1, 1, 1]} : vector<2x1000x128xf32> to vector<1x1000x1xf32>
    %squeeze3A_6 = vector.shape_cast %slice3A_5 : vector<1x1000x1xf32> to vector<1000xf32>
    %add3A = arith.addf %squeeze3A, %squeeze3A_6 : vector<1000xf32>
    %add3A_7 = arith.constant 1.000000e+00 : f32
    %add3A_8 = vector.broadcast %add3A_7 : f32 to vector<1000xf32>
    %add3A_9 = arith.addf %add3A, %add3A_8 : vector<1000xf32>
    %rsqrt3A = math.rsqrt %add3A_9 : vector<1000xf32>
    %get3A_10 = arith.constant 0 : index
    %get3A_11 = arith.constant 0 : index
    %get3A_12 = arith.constant 0 : index
    %get3A_13 = vector.load %arg1[%get3A_10, %get3A_11, %get3A_12] : memref<2x1000x128xf32, #tpu.memory_space<vmem>>, vector<1x1000x128xf32>
    %get3A_14 = vector.shape_cast %get3A_13 : vector<1x1000x128xf32> to vector<1000x128xf32>
    %get3A_15 = arith.constant 1 : index
    %get3A_16 = arith.constant 0 : index
    %get3A_17 = arith.constant 0 : index
    %get3A_18 = vector.load %arg1[%get3A_15, %get3A_16, %get3A_17] : memref<2x1000x128xf32, #tpu.memory_space<vmem>>, vector<1x1000x128xf32>
    %get3A_19 = vector.shape_cast %get3A_18 : vector<1x1000x128xf32> to vector<1000x128xf32>
    %add3A_20 = arith.addf %get3A_14, %get3A_19 : vector<1000x128xf32>
    %get3A_21 = arith.constant 0 : index
    %get3A_22 = arith.constant 0 : index
    %get3A_23 = vector.load %arg2[%get3A_21, %get3A_22] : memref<1000x128xf32, #tpu.memory_space<vmem>>, vector<1000x128xf32>
    %add3A_24 = arith.addf %add3A_20, %get3A_23 : vector<1000x128xf32>
    %broadcast_in_dim3A = vector.shape_cast %rsqrt3A : vector<1000xf32> to vector<1000x1xf32>
    %mul3A = vector.broadcast %broadcast_in_dim3A : vector<1000x1xf32> to vector<1000x128xf32>
    %mul3A_25 = arith.mulf %add3A_24, %mul3A : vector<1000x128xf32>
    %get3A_26 = arith.constant 0 : index
    %get3A_27 = arith.constant 0 : index
    %get3A_28 = vector.load %arg4[%get3A_26, %get3A_27] : memref<1x128xf32, #tpu.memory_space<vmem>>, vector<1x128xf32>
    %add3A_29 = vector.broadcast %get3A_28 : vector<1x128xf32> to vector<1000x128xf32>
    %add3A_30 = arith.addf %mul3A_25, %add3A_29 : vector<1000x128xf32>
    %get3A_31 = arith.constant 0 : index
    %get3A_32 = arith.constant 0 : index
    %get3A_33 = vector.load %arg5[%get3A_31, %get3A_32] : memref<1000x1xi32, #tpu.memory_space<vmem>>, vector<1000x1xi32>
    %squeeze3A_34 = vector.shape_cast %get3A_33 : vector<1000x1xi32> to vector<1000xi32>
    %broadcast_in_dim3A_35 = vector.shape_cast %squeeze3A_34 : vector<1000xi32> to vector<1000x1xi32>
    %iota3A = tpu.iota {dimensions = array<i32: 1>} : vector<1x64xi32>
    %eq3A_36 = vector.broadcast %broadcast_in_dim3A_35 : vector<1000x1xi32> to vector<1000x64xi32>
    %eq3A_37 = vector.broadcast %iota3A : vector<1x64xi32> to vector<1000x64xi32>
    %eq3A_38 = arith.cmpi eq, %eq3A_36, %eq3A_37 : vector<1000x64xi32>
    %convert_element_type3A_39 = arith.extui %eq3A_38 : vector<1000x64xi1> to vector<1000x64xi32>
    %convert_element_type3A_40 = arith.sitofp %convert_element_type3A_39 : vector<1000x64xi32> to vector<1000x64xf32>
    %get3A_41 = arith.constant 0 : index
    %get3A_42 = arith.constant 0 : index
    %get3A_43 = vector.load %arg7[%get3A_41, %get3A_42] : memref<64x128xf32, #tpu.memory_space<vmem>>, vector<64x128xf32>
    %dot_general3A = arith.constant dense<0.000000e+00> : vector<64x128xf32>
    %dot_general3A_44 = tpu.matmul %convert_element_type3A_40, %add3A_30, %dot_general3A {dimension_numbers = #tpu.dot_dimension_numbers<[0], [0], [1], [1], [0, 1, 1, 1], [], []>, precision = #tpu.contract_precision<fp32>, transpose_lhs_hint = false} : vector<1000x64xf32>, vector<1000x128xf32>, vector<64x128xf32> -> vector<64x128xf32>
    %add3A_45 = arith.addf %get3A_43, %dot_general3A_44 : vector<64x128xf32>
    %swap3A = arith.constant 0 : index
    %swap3A_46 = arith.constant 0 : index
    %swap3A_47 = vector.load %arg7[%swap3A, %swap3A_46] : memref<64x128xf32, #tpu.memory_space<vmem>>, vector<64x128xf32>
    tpu.vector_store %arg7[%swap3A, %swap3A_46], %add3A_45 {strides = array<i32>} : memref<64x128xf32, #tpu.memory_space<vmem>>, vector<64x128xf32>,
    %get3A_48 = arith.constant 0 : index
    %get3A_49 = arith.constant 0 : index
    %get3A_50 = vector.load %arg8[%get3A_48, %get3A_49] : memref<1x64xf32, #tpu.memory_space<vmem>>, vector<1x64xf32>
    %reduce_sum3A = arith.constant dense<0.000000e+00> : vector<64xf32>
    %reduce_sum3A_51 = vector.multi_reduction <add>, %convert_element_type3A_40, %reduce_sum3A [0] : vector<1000x64xf32> to vector<64xf32>
    %broadcast_in_dim3A_52 = vector.shape_cast %reduce_sum3A_51 : vector<64xf32> to vector<1x64xf32>
    %add3A_53 = arith.addf %get3A_50, %broadcast_in_dim3A_52 : vector<1x64xf32>
    %swap3A_54 = arith.constant 0 : index
    %swap3A_55 = arith.constant 0 : index
    %swap3A_56 = vector.load %arg8[%swap3A_54, %swap3A_55] : memref<1x64xf32, #tpu.memory_space<vmem>>, vector<1x64xf32>
    tpu.vector_store %arg8[%swap3A_54, %swap3A_55], %add3A_53 {strides = array<i32>} : memref<1x64xf32, #tpu.memory_space<vmem>>, vector<1x64xf32>,
    %eq3A_57 = arith.constant 9 : i32
    %eq3A_58 = arith.cmpi eq, %arg0, %eq3A_57 : i32
    %convert_element_type3A_59 = arith.extui %eq3A_58 : i1 to i32
    %cond3A_60 = arith.constant 0 : i32
    %cond3A_61 = arith.cmpi ne, %convert_element_type3A_59, %cond3A_60 : i32
    scf.if %cond3A_61 {
      %get3A_62 = arith.constant 0 : index
      %get3A_63 = arith.constant 0 : index
      %get3A_64 = vector.load %arg8[%get3A_62, %get3A_63] : memref<1x64xf32, #tpu.memory_space<vmem>>, vector<1x64xf32>
      %max3A = arith.constant 1.000000e+00 : f32
      %max3A_65 = vector.broadcast %max3A : f32 to vector<1x64xf32>
      %max3A_66 = arith.maximumf %get3A_64, %max3A_65 : vector<1x64xf32>
      %get3A_67 = arith.constant 0 : index
      %get3A_68 = arith.constant 0 : index
      %get3A_69 = vector.load %arg7[%get3A_67, %get3A_68] : memref<64x128xf32, #tpu.memory_space<vmem>>, vector<64x128xf32>
      %squeeze3A_70 = vector.shape_cast %max3A_66 : vector<1x64xf32> to vector<64xf32>
      %broadcast_in_dim3A_71 = vector.shape_cast %squeeze3A_70 : vector<64xf32> to vector<64x1xf32>
      %div3A = vector.broadcast %broadcast_in_dim3A_71 : vector<64x1xf32> to vector<64x128xf32>
      %div3A_72 = arith.divf %get3A_69, %div3A : vector<64x128xf32>
      %reduce_max3A = arith.constant dense<0xFF800000> : vector<64xf32>
      %reduce_max3A_73 = vector.multi_reduction <maximumf>, %div3A_72, %reduce_max3A [1] : vector<64x128xf32> to vector<64xf32>
      %broadcast_in_dim3A_74 = vector.shape_cast %reduce_max3A_73 : vector<64xf32> to vector<64x1xf32>
      %sub3A = vector.broadcast %broadcast_in_dim3A_74 : vector<64x1xf32> to vector<64x128xf32>
      %sub3A_75 = arith.subf %div3A_72, %sub3A : vector<64x128xf32>
      %exp3A = math.exp %sub3A_75 : vector<64x128xf32>
      %reduce_sum3A_76 = arith.constant dense<0.000000e+00> : vector<64xf32>
      %reduce_sum3A_77 = vector.multi_reduction <add>, %exp3A, %reduce_sum3A_76 [1] : vector<64x128xf32> to vector<64xf32>
      %broadcast_in_dim3A_78 = vector.shape_cast %reduce_sum3A_77 : vector<64xf32> to vector<64x1xf32>
      %log3A = math.log %broadcast_in_dim3A_78 : vector<64x1xf32>
      %sub3A_79 = vector.broadcast %log3A : vector<64x1xf32> to vector<64x128xf32>
      %sub3A_80 = arith.subf %sub3A_75, %sub3A_79 : vector<64x128xf32>
      %swap3A_81 = arith.constant 0 : index
      %swap3A_82 = arith.constant 0 : index
      %swap3A_83 = vector.load %arg6[%swap3A_81, %swap3A_82] : memref<64x128xf32, #tpu.memory_space<vmem>>, vector<64x128xf32>
      tpu.vector_store %arg6[%swap3A_81, %swap3A_82], %sub3A_80 {strides = array<i32>} : memref<64x128xf32, #tpu.memory_space<vmem>>, vector<64x128xf32>,
    } else {
    }
    return
  }
  func.func @transform_0(%arg0: i32) -> (i32, i32, i32) {
    %c0_i32 = arith.constant 0 : i32
    %c0_i32_0 = arith.constant 0 : i32
    %c0_i32_1 = arith.constant 0 : i32
    return %c0_i32, %arg0, %c0_i32_0 : i32, i32, i32
  }
  func.func @transform_1(%arg0: i32) -> (i32, i32) {
    %c0_i32 = arith.constant 0 : i32
    %c0_i32_0 = arith.constant 0 : i32
    return %arg0, %c0_i32 : i32, i32
  }
  func.func @transform_2(%arg0: i32) -> (i32, i32, i32) {
    %c0_i32 = arith.constant 0 : i32
    %c0_i32_0 = arith.constant 0 : i32
    %c0_i32_1 = arith.constant 0 : i32
    return %c0_i32, %arg0, %c0_i32_0 : i32, i32, i32
  }
  func.func @transform_3(%arg0: i32) -> (i32, i32) {
    %c0_i32 = arith.constant 0 : i32
    %c0_i32_0 = arith.constant 0 : i32
    %c0_i32_1 = arith.constant 0 : i32
    return %c0_i32, %c0_i32_0 : i32, i32
  }
  func.func @transform_4(%arg0: i32) -> (i32, i32) {
    %c0_i32 = arith.constant 0 : i32
    %c0_i32_0 = arith.constant 0 : i32
    return %arg0, %c0_i32 : i32, i32
  }
  func.func @transform_5(%arg0: i32) -> (i32, i32) {
    %c0_i32 = arith.constant 0 : i32
    %c0_i32_0 = arith.constant 0 : i32
    %c0_i32_1 = arith.constant 0 : i32
    return %c0_i32, %c0_i32_0 : i32, i32
  }
}

</mosaic_0001>

<sc_bundles>
// kernel: kernel.12.cloned.1.call-start
scs
__scs_entry_jumppad:
0x0: {  	(pc) =	sbr.rel $0x88, $3  }
0x1: {  	(tag) =	ssettag $0x0;
	lr =	simm.s32 $0x1  }
0x2: {  	[smem:$0x3F9A] =	sst lr;
	_ =	strace $0xD0000000  }
0x3: {  	_ = 	snop  }
0x4: {  	_ = 	snop  }
0x5: {  	_ = 	snop  }
0x6: {  	_ = 	snop  }
0x7: {  	_ = 	snop  }
__scs_overlays_trampoline_lowered:
0x8: {  	[smem:$0x3FA9] =	sst s0  }
0x9: {  	[smem:$0x3FAA] =	sst s1  }
0xa: {  	[smem:$0x3FAB] =	sst s2  }
0xb: {  	[smem:$0x3FAC] =	sst s3  }
0xc: {  	[smem:$0x3FAD] =	sst s4  }
0xd: {  	[smem:$0x3FAE] =	sst s5  }
0xe: {  	[smem:$0x3FAF] =	sst s6  }
0xf: {  	[smem:$0x3FB0] =	sst s7  }
0x10: {  	[smem:$0x3FB1] =	sst s8  }
0x11: {  	[smem:$0x3FB2] =	sst s9;
	s0 =	simm.s32 @!p0 $0x0  }
0x12: {  	s1 =	sld [smem:$0x3F98];
	s0 =	simm.s32 @p0 $0x1  }
0x13: {  	[smem:$0x3FB3] =	sst s0;
	s0 =	simm.s32 @!p1 $0x0  }
0x14: {  	s2 =	sld [smem:$0x3F97];
	s0 =	simm.s32 @p1 $0x1  }
0x15: {  	[smem:$0x3FB4] =	sst s0;
	s0 =	simm.s32 @!p2 $0x0  }
0x16: {  	s3 =	sld [smem:$0x3FDB];
	s0 =	simm.s32 @p2 $0x1  }
0x17: {  	s4 =	simm.s32 $0x1BF5;
	[smem:$0x3FB6] =	sst s0  }
0x18: {  	s0 =	sld [smem:$0x3F99];
	_ =	swait.ge [sflag:s4], $0x0  }
0x19: {  	s7 =	sld [smem:$0x3F9A]  }
0x1a: {  	s8 =	sadd.s32 $0xFFFFE003, lr  }
0x1b: {  	s9 =	sadd.s32 $0xFFFFFEF7, lr;
	s5 =	simm.s32 $0xFFFFFFFF;
	p2 =	slt.u32 s8, $0xFFFFF086  }
0x1c: {  	p1 =	slt.u32 s9, $0xF7A;
	s5 =	simm.s32 @!p2 $0x0  }
0x1d: {  	s5 =	simm.s32 @p1 $0x1;
	p0 =	seq.s32 s7, s2  }
0x1e: {  	s7 =	smul.u32 @!p0 $0xF7A, s2;
	p2 =	seq.s32 @!p0 s5, $0x0  }
0x1f: {  	s9 =	smul.u32 $0xF7A, s1;
	s8 =	simm.s32 @!p0 $0x1BF5;
	p2 =	por !p2, p0  }
0x20: {  	[sflag:s8] =	ssyncset.s32 @!p0 $0xFFFFF086;
	s6 =	sadd.s32 @!p0 s3, s7;
	s7 =	simm.s32 @!p0 $0x108  }
0x21: {  	s3 =	sadd.s32 s3, s9;
	s6 =	sadd.s32 @!p0 $0x88, s6;
	s7 =	simm.s32 @p2 $0x1082  }
0x22: {  	[simem:s7], [sflag:s8] =	dma.local @!p0 [hbm:s6], $0xF7A  }
0x23: {  	s9 =	sor.u32 $0xD0000000, s2;
	s6 =	simm.s32 $0x108;
	_ =	swait.ge @!p0 [sflag:s8], $0x0  }
0x24: {  	s3 =	sadd.s32 $0x88, s3;
	s6 =	simm.s32 @!p1 $0x1082;
	[sflag:s4] =	ssyncset.s32 $0xFFFFF086  }
0x25: {  	[simem:s6], [sflag:s4] =	dma.local [hbm:s3], $0xF7A  }
0x26: {  	[smem:$0x3F9A] =	sst s1;
	(tag) =	ssettag s2;
	_ =	strace s9  }
0x27: {  	s1 =	sld [smem:$0x3FAA]  }
0x28: {  	s2 =	sld [smem:$0x3FAB]  }
0x29: {  	s4 =	sld [smem:$0x3FAD]  }
0x2a: {  	p0 =	seq.s32 s5, $0x0;
	s5 =	sld [smem:$0x3FAE]  }
0x2b: {  	s6 =	sld [smem:$0x3FAF]  }
0x2c: {  	s7 =	sld [smem:$0x3FB0]  }
0x2d: {  	s3 =	simm.s32 $0x108;
	s8 =	sld [smem:$0x3FB1]  }
0x2e: {  	s3 =	simm.s32 @!p0 $0x1082;
	s9 =	sld [smem:$0x3FB2]  }
0x2f: {  	lr =	sadd.s32 s0, s3;
	s0 =	sld [smem:$0x3FA9]  }
0x30: {  	s3 =	sld [smem:$0x3FAC]  }
0x31: {  	[smem:$0x3FB5] =	sst s10  }
0x32: {  	s10 =	sld [smem:$0x3FB3];
	_ =	sdelay $0x3  }
0x33: {  	p0 =	seq.s32 s10, $0x1;
	s10 =	sld [smem:$0x3FB5];
	_ =	sdelay $0x3  }
0x34: {  	[smem:$0x3FB5] =	sst s10  }
0x35: {  	s10 =	sld [smem:$0x3FB4];
	_ =	sdelay $0x3  }
0x36: {  	p1 =	seq.s32 s10, $0x1;
	s10 =	sld [smem:$0x3FB5];
	_ =	sdelay $0x3  }
0x37: {  	[smem:$0x3FB5] =	sst s10  }
0x38: {  	s10 =	sld [smem:$0x3FB6]  }
0x39: {  	_ = 	snop;
	(pc) =	sbr.ind lr, $3  }
0x3a: {  	_ = 	snop  }
0x3b: {  	_ = 	snop  }
0x3c: {  	p2 =	seq.s32 s10, $0x1;
	s10 =	sld [smem:$0x3FB5]  }
0x3d: {  	_ =	shalt  }
0x3e: {  	_ =	shalt  }
0x3f: {  	_ =	shalt  }
0x40: {  	_ =	shalt  }
0x41: {  	_ =	shalt  }
0x42: {  	_ =	shalt  }
0x43: {  	_ =	shalt  }
0x44: {  	_ =	shalt  }
0x45: {  	_ =	shalt  }
0x46: {  	_ =	shalt  }
0x47: {  	_ =	shalt  }
0x48: {  	_ =	shalt  }
0x49: {  	_ =	shalt  }
0x4a: {  	_ =	shalt  }
0x4b: {  	_ =	shalt  }
0x4c: {  	_ =	shalt  }
0x4d: {  	_ =	shalt  }
0x4e: {  	_ =	shalt  }
0x4f: {  	_ =	shalt  }
0x50: {  	_ =	shalt  }
0x51: {  	_ =	shalt  }
0x52: {  	_ =	shalt  }
0x53: {  	_ =	shalt  }
0x54: {  	_ =	shalt  }
0x55: {  	_ =	shalt  }
0x56: {  	_ =	shalt  }
0x57: {  	_ =	shalt  }
0x58: {  	_ =	shalt  }
0x59: {  	_ =	shalt  }
0x5a: {  	_ =	shalt  }
0x5b: {  	_ =	shalt  }
0x5c: {  	_ =	shalt  }
0x5d: {  	_ =	shalt  }
0x5e: {  	_ =	shalt  }
0x5f: {  	_ =	shalt  }
0x60: {  	_ =	shalt  }
0x61: {  	_ =	shalt  }
0x62: {  	_ =	shalt  }
0x63: {  	_ =	shalt  }
0x64: {  	_ =	shalt  }
0x65: {  	_ =	shalt  }
0x66: {  	_ =	shalt  }
0x67: {  	_ =	shalt  }
0x68: {  	_ =	shalt  }
0x69: {  	_ =	shalt  }
0x6a: {  	_ =	shalt  }
0x6b: {  	_ =	shalt  }
0x6c: {  	_ =	shalt  }
0x6d: {  	_ =	shalt  }
0x6e: {  	_ =	shalt  }
0x6f: {  	_ =	shalt  }
0x70: {  	_ =	shalt  }
0x71: {  	_ =	shalt  }
0x72: {  	_ =	shalt  }
0x73: {  	_ =	shalt  }
0x74: {  	_ =	shalt  }
0x75: {  	_ =	shalt  }
0x76: {  	_ =	shalt  }
0x77: {  	_ =	shalt  }
0x78: {  	_ =	shalt  }
0x79: {  	_ =	shalt  }
0x7a: {  	_ =	shalt  }
0x7b: {  	_ =	shalt  }
0x7c: {  	_ =	shalt  }
0x7d: {  	_ =	shalt  }
0x7e: {  	_ =	shalt  }
0x7f: {  	_ =	shalt  }
0x80: {  	_ =	shalt  }
0x81: {  	_ =	shalt  }
0x82: {  	_ =	shalt  }
0x83: {  	_ =	shalt  }
0x84: {  	_ =	shalt  }
0x85: {  	_ =	shalt  }
0x86: {  	_ =	shalt  }
0x87: {  	_ =	shalt  }
.Lfunc_end0:
.L_simem_size_0:
called_computation.1_lowered:
.L_overlay_start_0:
0x88: {  	s2 =	sld [smem:$0x3FD9]  }
0x89: {  	s3 =	sld [smem:$0x3FFE];
	_ =	sdelay $0x1  }
0x8a: {  	s1 =	srdreg.scid  }
0x8b: {  	s0 =	sand.u32 $0x1, s1  }
0x8c: {  	s16 =	sshll.u32 s0, $0xA;
	s2 =	sadd.s32 s3, s2  }
0x8d: {  	s2 =	sadd.s32 s2, s16  }
0x8e: {  	[smem:$0x3FC1] =	sst s2  }
0x8f: {  	_ = 	snop  }
0x90: {  	(tm) =	ssettm $0x1  }
0x91: {  	s17 =	sld [smem:$0x3FFB];
	_ =	sdelay $0x3  }
0x92: {  	_ =	strace s17  }
0x93: {  	s2 =	sld [smem:$0x3FFC];
	_ =	sdelay $0x3  }
0x94: {  	_ =	strace s2  }
0x95: {  	s2 =	sld [smem:$0x3FFD];
	_ =	sdelay $0x3  }
0x96: {  	_ =	strace s2  }
0x97: {  	_ =	strace $0x8FFFFFFF  }
0x98: {  	s18 =	sld [smem:$0x3FDB];
	_ =	sdelay $0x1  }
0x99: {  	s19 =	simm.s32 $_scs_section_size  }
0x9a: {  	s4 =	simm.s32 $_size__tile_overlayer_lowered;
	s5 =	simm.s32 $_tile_overlayer_lowered  }
0x9b: {  	s22 =	simm.s32 $0x1BFF;
	s21 =	sshll.u32 s5, $0x1;
	s2 =	sadd.s32 s19, s18  }
0x9c: {  	s6 =	simm.s32 $0x0;
	s20 =	sshll.u32 s4, $0x1;
	s4 =	sadd.s32 s21, s2  }
0x9d: {  	[timem:s6], [sflag:s22] =	dma.local [hbm:s4], s20  }
0x9e: {  	_ =	swait.ge [sflag:s22], s20  }
0x9f: {  	s3 =	ssub.s32 $0x0, s20;
	[sflag:s22] =	ssyncset.done $0x0  }
0xa0: {  	[sflag:s22] =	ssyncadd.s32 s3;
	_ =	sdelay $0x1  }
0xa1: {  	s23 =	simm.s32 $0x1B8B  }
0xa2: {  	_ =	swait.ge [sflag:s23], $0x1  }
0xa3: {  	[sflag:s23] =	ssyncset.done $0x0  }
0xa4: {  	s25 =	simm.s32 $0x1B8E;
	s24 =	sld [smem:$0x3FFE];
	[sflag:s23] =	ssyncadd.s32 $0xFFFFFFFF  }
0xa5: {  	s26 =	simm.s32 $execute0_lowered;
	[smem:$0x3FD2] =	sst s25  }
0xa6: {  	s4 =	sshll.u32 s26, $0x1;
	_ =	strace $0x80000049;
	[dreg:$0x1] =	wrdreg $0xFFFFFFFF  }
0xa7: {  	s28 =	simm.s32 $_size_execute0_lowered;
	s2 =	sadd.s32 s2, s4;
	[dreg:$0x0] =	wrdreg $0x0  }
0xa8: {  	s4 =	sshll.u32 s28, $0x1;
	[dreg:$0x2] =	wrdreg s2  }
0xa9: {  	[dreg:$0x3] =	wrdreg s4  }
0xaa: {  	[dreg:$0x4] =	wrdreg $0xC0  }
0xab: {  	_ =	task [dreg:s6], $0x5FFFF  }
0xac: {  	[dreg:$0x1] =	wrdreg $0xFFFFFFFF  }
0xad: {  	[dreg:$0x0] =	wrdreg $0x60  }
0xae: {  	[dreg:$0x2] =	wrdreg s24  }
0xaf: {  	[dreg:$0x3] =	wrdreg $0xA8000  }
0xb0: {  	[dreg:$0x4] =	wrdreg $0x9  }
0xb1: {  	_ =	task.clear_ibuf [dreg:s6], $0x5FFFF;
	_ =	strace $0x90000049  }
0xb2: {  	s29 =	simm.s32 $0x9;
	_ =	strace $0x8000004B  }
0xb3: {  	_ =	swait.ge [sflag:s29], $0x1  }
0xb4: {  	[sflag:s29] =	ssyncadd.s32 $0xFFFFFFFF  }
0xb5: {  	_ =	strace $0x9000004B  }
0xb6: {  	_ =	sfence  }
0xb7: {  	s30 =	sld [smem:$0x0];
	_ =	sdelay $0x2  }
0xb8: {  	s31 =	sshll.u32 s1, $0xD;
	s1 =	sshrl.u32 s1, $0x2  }
0xb9: {  	s3 =	sand.u32 $0x4000, s31;
	s1 =	sadd.s32 s1, s30  }
0xba: {  	s0 =	sor.u32 s3, s0;
	s1 =	sshll.u32 s1, $0x11  }
0xbb: {  	s0 =	sor.u32 s1, s0  }
0xbc: {  	s0 =	sadd.s32 $0x8F2B, s0  }
0xbd: {  	[sflag:s0] =	ssyncadd.remote.s32 $0x1  }
0xbe: {  	_ =	sfence.sel $0xFFFF  }
0xbf: {  	[dreg:$0x0] =	wrdreg $0xFFFFFFFF;
	(pc) =	sbr.abs _section_cstart, $3  }
0xc0: {  	[dreg:$0x1] =	wrdreg $0xFFFFFFFF  }
0xc1: {  	_ =	task.clear_ibuf [dreg:s6], $0x2FFFF;
	_ =	strace $0x9FFFFFFF  }
0xc2: {  	(tm) =	ssettm $0x7FFFFFFF  }
0xc3: {  	_ =	shalt  }
tec
execute0_lowered:
.L_overlay_start_1:
0x0: {  	(tag) =	ssettag $0x1  }
0x1: {  	s7 =	rddreg [dreg:$0x0]  }
0x2: {  	s1 =	rddreg [dreg:$0x1]  }
0x3: {  	s0 =	rddreg [dreg:$0x2];
	s2 =	simm.s32 $0x0  }
0x4: {  	s3 =	srdreg.scid;
	s14 =	simm.s32 $0x40;
	s15 =	simm.s32 $0x2800  }
0x5: {  	s16 =	simm.s32 $0x4800;
	s17 =	simm.s32 $0x6800;
	s18 =	simm.s32 $0x8800  }
0x6: {  	s19 =	simm.s32 $0x1;
	s20 =	simm.s32 $0x2;
	s21 =	simm.s32 $0x3  }
0x7: {  	s22 =	simm.s32 $0x4;
	[smem:$0x7FF] =	sst s2;
	s8 =	sand.u32 $0x1, s3  }
0x8: {  	s3 =	stileid.u32;
	s4 =	sadd.s32 $0x63E00, s7;
	s5 =	sadd.s32 $0x59E00, s7  }
0x9: {  	s6 =	sadd.s32 $0x7600, s7;
	_ =	strace $0x8000004A;
	s9 =	smul.u32 $0x28000, s8  }
0xa: {  	s10 =	smul.u32 $0x50000, s3;
	s29 =	ssub.s32 $0x2, s8;
	s31 =	sshll.u32 s3, $0x6  }
0xb: {  	s24 =	smul.u32 $0x2800, s3;
	s8 =	sshrl.u32 s29, $0x1;
	s11 =	sadd.s32 s9, s7  }
0xc: {  	s30 =	sshrl.u32 s10, $0x2;
	s12 =	ssub.s32 s29, s8;
	s7 =	sor.u32 $0x1C05, s31  }
0xd: {  	s8 =	smul.u32 $0xA0, s3;
	s13 =	sadd.s32 s30, s1;
	s9 =	sadd.s32 $0x6DE00, s11  }
0xe: {  	s23 =	sadd.s32 $0xBDE00, s11;
	s10 =	smax.u32 s12, $0x1;
	s12 =	simm.s32 $0x5  }
0xf: {  	s11 =	sshrl.u32 s13, $0x3;
	s13 =	simm.s32 $0x1400;
	s23 =	sadd.s32 s24, s23  }
.LBB2_1:
0x10: {  	[spmem:s11], [sflag:s7] =	dma.local [hbm:s6], $0x2800  }
0x11: {  	_ =	swait.ge [sflag:s12], $0x2800  }
0x12: {  	[sflag:s12] =	ssyncset.done $0x0  }
0x13: {  	[sflag:s12] =	ssyncadd.s32 $0xFFFFD800  }
0x14: {  	s24 =	simm.s32 $0x0;
	[bflag:$0x0] =	sbarrier.arrive $0xFFFF  }
.LBB2_2:
0x15: {  	s25 =	smul.u32 $0x28, s24;
	_ =	sdelay $0x1  }
0x16: {  	s25 =	sadd.s32 s8, s25  }
0x17: {  	s25 =	sshll.u32 s25, $0x4  }
0x18: {  	s28 =	simm.s32 $0x0;
	s26 =	sadd.s32 s4, s25  }
0x19: {  	[tilespmem:s28], [sflag:$0x5] =	stream.linear.gather [hbm4b:s26+s28], $0x1400, $0x38;
	[tilespmem:$0x1E800] =	vst v63  }
0x1a: {  	_ =	swait.ge [sflag:s12], $0x1400  }
0x1b: {  	[sflag:s12] =	ssyncset.done $0x0  }
0x1c: {  	s25 =	sadd.s32 s5, s25;
	[sflag:s12] =	ssyncadd.s32 $0xFFFFEC00  }
0x1d: {  	[tilespmem:s13], [sflag:$0x5] =	stream.linear.gather [hbm4b:s25+s28], $0x1400, $0x38;
	[tilespmem:$0x1E800] =	vst v63  }
0x1e: {  	_ =	swait.ge [sflag:s12], $0x1400  }
0x1f: {  	[sflag:s12] =	ssyncset.done $0x0  }
0x20: {  	s26 =	simm.s32 $0x0;
	[sflag:s12] =	ssyncadd.s32 $0xFFFFEC00  }
0x21: {  	[tilespmem:s15], [sflag:$0x1] =	stream.indirect.gather [hbm4b:s9+s14], $0x80, s26, s14, $0xb8;
	[tilespmem:$0x1E800] =	vst v63  }
0x22: {  	s28 =	simm.s32 $0x80  }
0x23: {  	[tilespmem:s16], [sflag:$0x2] =	stream.indirect.gather [hbm4b:s9+s14], $0x80, s28, s14, $0xb8;
	[tilespmem:$0x1E800] =	vst v63  }
0x24: {  	s30 =	simm.s32 $0x100  }
0x25: {  	[tilespmem:s17], [sflag:$0x3] =	stream.indirect.gather [hbm4b:s9+s14], $0x80, s30, s14, $0xb8;
	[tilespmem:$0x1E800] =	vst v63  }
0x26: {  	s31 =	simm.s32 $0x180  }
0x27: {  	[tilespmem:s18], [sflag:$0x4] =	stream.indirect.gather [hbm4b:s9+s14], $0x80, s31, s14, $0xb8;
	[tilespmem:$0x1E800] =	vst v63  }
0x28: {  	_ =	swait.ge [sflag:s19], $0x2000  }
0x29: {  	[sflag:s19] =	ssyncset.done $0x0  }
0x2a: {  	s26 =	simm.s32 $0x1400;
	[sflag:s19] =	ssyncadd.s32 $0xFFFFE000  }
0x2b: {  	[spmem:s1] =	stream.indirect.scatter.add.f32 [tilespmem:s15], [sflag:$0x5], $0x80, s26, s14, $0xb8;
	[tilespmem:$0x1E800] =	vst v63  }
0x2c: {  	_ =	swait.ge [sflag:s12], $0x2000  }
0x2d: {  	[sflag:s12] =	ssyncset.done $0x0  }
0x2e: {  	[sflag:s12] =	ssyncadd.s32 $0xFFFFE000  }
0x2f: {  	_ =	swait.ge [sflag:s20], $0x2000  }
0x30: {  	[sflag:s20] =	ssyncset.done $0x0  }
0x31: {  	s28 =	simm.s32 $0x1480;
	[sflag:s20] =	ssyncadd.s32 $0xFFFFE000  }
0x32: {  	[spmem:s1] =	stream.indirect.scatter.add.f32 [tilespmem:s16], [sflag:$0x5], $0x80, s28, s14, $0xb8;
	[tilespmem:$0x1E800] =	vst v63  }
0x33: {  	_ =	swait.ge [sflag:s12], $0x2000  }
0x34: {  	[sflag:s12] =	ssyncset.done $0x0  }
0x35: {  	[sflag:s12] =	ssyncadd.s32 $0xFFFFE000  }
0x36: {  	_ =	swait.ge [sflag:s21], $0x2000  }
0x37: {  	[sflag:s21] =	ssyncset.done $0x0  }
0x38: {  	s30 =	simm.s32 $0x1500;
	[sflag:s21] =	ssyncadd.s32 $0xFFFFE000  }
0x39: {  	[spmem:s1] =	stream.indirect.scatter.add.f32 [tilespmem:s17], [sflag:$0x5], $0x80, s30, s14, $0xb8;
	[tilespmem:$0x1E800] =	vst v63  }
0x3a: {  	_ =	swait.ge [sflag:s12], $0x2000  }
0x3b: {  	[sflag:s12] =	ssyncset.done $0x0  }
0x3c: {  	[sflag:s12] =	ssyncadd.s32 $0xFFFFE000  }
0x3d: {  	_ =	swait.ge [sflag:s22], $0x2000  }
0x3e: {  	[sflag:s22] =	ssyncset.done $0x0  }
0x3f: {  	s31 =	simm.s32 $0x1580;
	[sflag:s22] =	ssyncadd.s32 $0xFFFFE000  }
0x40: {  	[spmem:s1] =	stream.indirect.scatter.add.f32 [tilespmem:s18], [sflag:$0x5], $0x80, s31, s14, $0xb8;
	[tilespmem:$0x1E800] =	vst v63  }
0x41: {  	_ =	swait.ge [sflag:s12], $0x2000  }
0x42: {  	s29 =	simm.s32 $0x1000;
	s25 =	simm.s32 $0x800;
	[sflag:s12] =	ssyncset.done $0x0  }
.LBB2_3:
0x43: {  	s28 =	sshra.s32 s25, $0x2  }
0x44: {  	[sflag:s12] =	ssyncadd.s32 $0xFFFFE000;
	s25 =	smov.u32 s29;
	s26 =	sadd.s32 $0x800, s29  }
0x45: {  	[tilespmem:s15], [sflag:$0x1] =	stream.indirect.gather [hbm4b:s9+s14], $0x80, s28, s14, $0xb8;
	[tilespmem:$0x1E800] =	vst v63  }
0x46: {  	p0 =	sne.s32 s29, $0x4800;
	s29 =	sadd.s32 $0x80, s28  }
0x47: {  	[tilespmem:s16], [sflag:$0x2] =	stream.indirect.gather [hbm4b:s9+s14], $0x80, s29, s14, $0xb8;
	[tilespmem:$0x1E800] =	vst v63  }
0x48: {  	s29 =	sadd.s32 $0x100, s28  }
0x49: {  	[tilespmem:s17], [sflag:$0x3] =	stream.indirect.gather [hbm4b:s9+s14], $0x80, s29, s14, $0xb8;
	[tilespmem:$0x1E800] =	vst v63  }
0x4a: {  	s29 =	sadd.s32 $0x180, s28  }
0x4b: {  	[tilespmem:s18], [sflag:$0x4] =	stream.indirect.gather [hbm4b:s9+s14], $0x80, s29, s14, $0xb8;
	[tilespmem:$0x1E800] =	vst v63  }
0x4c: {  	_ =	swait.ge [sflag:s19], $0x2000  }
0x4d: {  	[sflag:s19] =	ssyncset.done $0x0  }
0x4e: {  	s29 =	sadd.s32 $0x1400, s28;
	[sflag:s19] =	ssyncadd.s32 $0xFFFFE000  }
0x4f: {  	[spmem:s1] =	stream.indirect.scatter.add.f32 [tilespmem:s15], [sflag:$0x5], $0x80, s29, s14, $0xb8;
	[tilespmem:$0x1E800] =	vst v63  }
0x50: {  	_ =	swait.ge [sflag:s12], $0x2000  }
0x51: {  	[sflag:s12] =	ssyncset.done $0x0  }
0x52: {  	[sflag:s12] =	ssyncadd.s32 $0xFFFFE000  }
0x53: {  	_ =	swait.ge [sflag:s20], $0x2000  }
0x54: {  	[sflag:s20] =	ssyncset.done $0x0  }
0x55: {  	s29 =	sadd.s32 $0x1480, s28;
	[sflag:s20] =	ssyncadd.s32 $0xFFFFE000  }
0x56: {  	[spmem:s1] =	stream.indirect.scatter.add.f32 [tilespmem:s16], [sflag:$0x5], $0x80, s29, s14, $0xb8;
	[tilespmem:$0x1E800] =	vst v63  }
0x57: {  	_ =	swait.ge [sflag:s12], $0x2000  }
0x58: {  	[sflag:s12] =	ssyncset.done $0x0  }
0x59: {  	[sflag:s12] =	ssyncadd.s32 $0xFFFFE000  }
0x5a: {  	_ =	swait.ge [sflag:s21], $0x2000  }
0x5b: {  	[sflag:s21] =	ssyncset.done $0x0  }
0x5c: {  	s29 =	sadd.s32 $0x1500, s28;
	[sflag:s21] =	ssyncadd.s32 $0xFFFFE000  }
0x5d: {  	[spmem:s1] =	stream.indirect.scatter.add.f32 [tilespmem:s17], [sflag:$0x5], $0x80, s29, s14, $0xb8;
	[tilespmem:$0x1E800] =	vst v63  }
0x5e: {  	_ =	swait.ge [sflag:s12], $0x2000  }
0x5f: {  	[sflag:s12] =	ssyncset.done $0x0  }
0x60: {  	[sflag:s12] =	ssyncadd.s32 $0xFFFFE000  }
0x61: {  	_ =	swait.ge [sflag:s22], $0x2000  }
.Ltmp0:
0x62: {  	[sflag:s22] =	ssyncset.done $0x0;
	(pc) =	sbr.rel @p0 .LBB2_3-.Ltmp0, $4  }
0x63: {  	s28 =	sadd.s32 $0x1580, s28;
	[sflag:s22] =	ssyncadd.s32 $0xFFFFE000  }
0x64: {  	[spmem:s1] =	stream.indirect.scatter.add.f32 [tilespmem:s18], [sflag:$0x5], $0x80, s28, s14, $0xb8;
	[tilespmem:$0x1E800] =	vst v63  }
0x65: {  	_ =	swait.ge [sflag:s12], $0x2000  }
0x66: {  	s29 =	smov.u32 s26;
	[sflag:s12] =	ssyncset.done $0x0  }
0x67: {  	s25 =	sshra.s32 s25, $0x2;
	[sflag:s12] =	ssyncadd.s32 $0xFFFFE000  }
0x68: {  	[tilespmem:s15], [sflag:$0x1] =	stream.indirect.gather [hbm4b:s9+s14], $0x80, s25, s14, $0xb8;
	[tilespmem:$0x1E800] =	vst v63  }
0x69: {  	s26 =	sadd.s32 $0x80, s25  }
0x6a: {  	[tilespmem:s16], [sflag:$0x2] =	stream.indirect.gather [hbm4b:s9+s14], $0x80, s26, s14, $0xb8;
	[tilespmem:$0x1E800] =	vst v63  }
0x6b: {  	s31 =	sadd.s32 $0x100, s25  }
0x6c: {  	[tilespmem:s17], [sflag:$0x3] =	stream.indirect.gather [hbm4b:s9+s14], $0x80, s31, s14, $0xb8;
	[tilespmem:$0x1E800] =	vst v63  }
0x6d: {  	s28 =	sadd.s32 $0x180, s25  }
0x6e: {  	[tilespmem:s18], [sflag:$0x4] =	stream.indirect.gather [hbm4b:s9+s14], $0x80, s28, s14, $0xb8;
	[tilespmem:$0x1E800] =	vst v63  }
0x6f: {  	_ =	swait.ge [sflag:s19], $0x2000  }
0x70: {  	[sflag:s19] =	ssyncset.done $0x0  }
0x71: {  	s29 =	sadd.s32 $0x1400, s25;
	[sflag:s19] =	ssyncadd.s32 $0xFFFFE000  }
0x72: {  	[spmem:s1] =	stream.indirect.scatter.add.f32 [tilespmem:s15], [sflag:$0x5], $0x80, s29, s14, $0xb8;
	[tilespmem:$0x1E800] =	vst v63  }
0x73: {  	_ =	swait.ge [sflag:s12], $0x2000  }
0x74: {  	[sflag:s12] =	ssyncset.done $0x0  }
0x75: {  	[sflag:s12] =	ssyncadd.s32 $0xFFFFE000  }
0x76: {  	_ =	swait.ge [sflag:s20], $0x2000  }
0x77: {  	[sflag:s20] =	ssyncset.done $0x0  }
0x78: {  	s30 =	sadd.s32 $0x1480, s25;
	[sflag:s20] =	ssyncadd.s32 $0xFFFFE000  }
0x79: {  	[spmem:s1] =	stream.indirect.scatter.add.f32 [tilespmem:s16], [sflag:$0x5], $0x80, s30, s14, $0xb8;
	[tilespmem:$0x1E800] =	vst v63  }
0x7a: {  	_ =	swait.ge [sflag:s12], $0x2000  }
0x7b: {  	[sflag:s12] =	ssyncset.done $0x0  }
0x7c: {  	[sflag:s12] =	ssyncadd.s32 $0xFFFFE000  }
0x7d: {  	_ =	swait.ge [sflag:s21], $0x2000  }
0x7e: {  	[sflag:s21] =	ssyncset.done $0x0  }
0x7f: {  	s31 =	sadd.s32 $0x1500, s25;
	[sflag:s21] =	ssyncadd.s32 $0xFFFFE000  }
0x80: {  	[spmem:s1] =	stream.indirect.scatter.add.f32 [tilespmem:s17], [sflag:$0x5], $0x80, s31, s14, $0xb8;
	[tilespmem:$0x1E800] =	vst v63  }
0x81: {  	_ =	swait.ge [sflag:s12], $0x2000  }
0x82: {  	[sflag:s12] =	ssyncset.done $0x0  }
0x83: {  	[sflag:s12] =	ssyncadd.s32 $0xFFFFE000  }
0x84: {  	s24 =	sadd.s32 $0x1, s24;
	_ =	swait.ge [sflag:s22], $0x2000  }
0x85: {  	p0 =	sne.s32 s24, $0x4;
	[sflag:s22] =	ssyncset.done $0x0  }
.Ltmp1:
0x86: {  	s25 =	sadd.s32 $0x1580, s25;
	[sflag:s22] =	ssyncadd.s32 $0xFFFFE000;
	(pc) =	sbr.rel @p0 .LBB2_2-.Ltmp1, $4  }
0x87: {  	[spmem:s1] =	stream.indirect.scatter.add.f32 [tilespmem:s18], [sflag:$0x5], $0x80, s25, s14, $0xb8;
	[tilespmem:$0x1E800] =	vst v63  }
0x88: {  	_ =	swait.ge [sflag:s12], $0x2000  }
0x89: {  	[sflag:s12] =	ssyncset.done $0x0  }
0x8a: {  	[sflag:s12] =	ssyncadd.s32 $0xFFFFE000  }
0x8b: {  	s2 =	sadd.s32 $0x1, s2  }
0x8c: {  	p0 =	sne.s32 s2, s10  }
.Ltmp2:
0x8d: {  	[bflag:$0x0] =	sbarrier.arrive $0xFFFF;
	(pc) =	sbr.rel @p0 .LBB2_1-.Ltmp2, $4  }
0x8e: {  	[hbm:s23], [sflag:s7] =	dma.local [spmem:s11], $0x2800  }
0x8f: {  	_ =	swait.ge [sflag:s12], $0x2800  }
0x90: {  	[sflag:s12] =	ssyncset.done $0x0  }
0x91: {  	[sflag:s12] =	ssyncadd.s32 $0xFFFFD800  }
0x92: {  	_ =	sfence.sel $0x180000  }
0x93: {  	[bflag:$0x0] =	sbarrier.arrive $0xFFFF  }
0x94: {  	p0 =	sne.s32 s3, $0x0;
	_ =	strace $0x9000004A  }
0x95: {  	s0 =	sadd.s32 @!p0 $0x100000, s0;
	[bflag:$0x2] =	sbarrier.arrive $0xFFFF  }
0x96: {  	[sflag:s0] =	ssyncadd.tile.s32 @!p0 $0x1;
	_ =	shalt  }
.Lfunc_end2:
_tile_overlayer_lowered:
.L_overlay_start_2:
0x97: {  	(tag) =	ssettag $0x2  }
0x98: {  	s0 =	rddreg [dreg:$0x0];
	s2 =	stileid.u32  }
0x99: {  	s1 =	rddreg [dreg:$0x1];
	p0 =	sne.s32 s2, $0x0  }
0x9a: {  	s3 =	rddreg [dreg:$0x2];
	[bflag:$0x3] =	sbarrier.arrive $0xFFFF;
	s2 =	simm.s32 @!p0 $0x1C05  }
0x9b: {  	[timem:s3], [sflag:s2] =	dma.local @!p0 [hbm:s0], s1  }
0x9c: {  	s0 =	simm.s32 @!p0 $0x5  }
0x9d: {  	_ =	swait.ge @!p0 [sflag:s0], s1  }
0x9e: {  	s1 =	ssub.s32 @!p0 $0x0, s1;
	[sflag:s0] =	ssyncset.done @!p0 $0x0  }
0x9f: {  	[sflag:s0] =	ssyncadd.s32 @!p0 s1  }
0xa0: {  	[bflag:$0x3] =	sbarrier.arrive $0xFFFF  }
0xa1: {  	_ =	shalt  }

// kernel: kernel.15.cloned.1.call-start
scs
__scs_entry_jumppad:
0x0: {  	(pc) =	sbr.rel $0x88, $3  }
0x1: {  	(tag) =	ssettag $0x0;
	lr =	simm.s32 $0x1  }
0x2: {  	[smem:$0x3F9A] =	sst lr;
	_ =	strace $0xD0000000  }
0x3: {  	_ = 	snop  }
0x4: {  	_ = 	snop  }
0x5: {  	_ = 	snop  }
0x6: {  	_ = 	snop  }
0x7: {  	_ = 	snop  }
__scs_overlays_trampoline_lowered:
0x8: {  	[smem:$0x3FA9] =	sst s0  }
0x9: {  	[smem:$0x3FAA] =	sst s1  }
0xa: {  	[smem:$0x3FAB] =	sst s2  }
0xb: {  	[smem:$0x3FAC] =	sst s3  }
0xc: {  	[smem:$0x3FAD] =	sst s4  }
0xd: {  	[smem:$0x3FAE] =	sst s5  }
0xe: {  	[smem:$0x3FAF] =	sst s6  }
0xf: {  	[smem:$0x3FB0] =	sst s7  }
0x10: {  	[smem:$0x3FB1] =	sst s8  }
0x11: {  	[smem:$0x3FB2] =	sst s9;
	s0 =	simm.s32 @!p0 $0x0  }
0x12: {  	s1 =	sld [smem:$0x3F98];
	s0 =	simm.s32 @p0 $0x1  }
0x13: {  	[smem:$0x3FB3] =	sst s0;
	s0 =	simm.s32 @!p1 $0x0  }
0x14: {  	s2 =	sld [smem:$0x3F97];
	s0 =	simm.s32 @p1 $0x1  }
0x15: {  	[smem:$0x3FB4] =	sst s0;
	s0 =	simm.s32 @!p2 $0x0  }
0x16: {  	s3 =	sld [smem:$0x3FDB];
	s0 =	simm.s32 @p2 $0x1  }
0x17: {  	s4 =	simm.s32 $0x1BF5;
	[smem:$0x3FB6] =	sst s0  }
0x18: {  	s0 =	sld [smem:$0x3F99];
	_ =	swait.ge [sflag:s4], $0x0  }
0x19: {  	s7 =	sld [smem:$0x3F9A]  }
0x1a: {  	s8 =	sadd.s32 $0xFFFFE003, lr  }
0x1b: {  	s9 =	sadd.s32 $0xFFFFFEF7, lr;
	s5 =	simm.s32 $0xFFFFFFFF;
	p2 =	slt.u32 s8, $0xFFFFF086  }
0x1c: {  	p1 =	slt.u32 s9, $0xF7A;
	s5 =	simm.s32 @!p2 $0x0  }
0x1d: {  	s5 =	simm.s32 @p1 $0x1;
	p0 =	seq.s32 s7, s2  }
0x1e: {  	s7 =	smul.u32 @!p0 $0xF7A, s2;
	p2 =	seq.s32 @!p0 s5, $0x0  }
0x1f: {  	s9 =	smul.u32 $0xF7A, s1;
	s8 =	simm.s32 @!p0 $0x1BF5;
	p2 =	por !p2, p0  }
0x20: {  	[sflag:s8] =	ssyncset.s32 @!p0 $0xFFFFF086;
	s6 =	sadd.s32 @!p0 s3, s7;
	s7 =	simm.s32 @!p0 $0x108  }
0x21: {  	s3 =	sadd.s32 s3, s9;
	s6 =	sadd.s32 @!p0 $0x88, s6;
	s7 =	simm.s32 @p2 $0x1082  }
0x22: {  	[simem:s7], [sflag:s8] =	dma.local @!p0 [hbm:s6], $0xF7A  }
0x23: {  	s9 =	sor.u32 $0xD0000000, s2;
	s6 =	simm.s32 $0x108;
	_ =	swait.ge @!p0 [sflag:s8], $0x0  }
0x24: {  	s3 =	sadd.s32 $0x88, s3;
	s6 =	simm.s32 @!p1 $0x1082;
	[sflag:s4] =	ssyncset.s32 $0xFFFFF086  }
0x25: {  	[simem:s6], [sflag:s4] =	dma.local [hbm:s3], $0xF7A  }
0x26: {  	[smem:$0x3F9A] =	sst s1;
	(tag) =	ssettag s2;
	_ =	strace s9  }
0x27: {  	s1 =	sld [smem:$0x3FAA]  }
0x28: {  	s2 =	sld [smem:$0x3FAB]  }
0x29: {  	s4 =	sld [smem:$0x3FAD]  }
0x2a: {  	p0 =	seq.s32 s5, $0x0;
	s5 =	sld [smem:$0x3FAE]  }
0x2b: {  	s6 =	sld [smem:$0x3FAF]  }
0x2c: {  	s7 =	sld [smem:$0x3FB0]  }
0x2d: {  	s3 =	simm.s32 $0x108;
	s8 =	sld [smem:$0x3FB1]  }
0x2e: {  	s3 =	simm.s32 @!p0 $0x1082;
	s9 =	sld [smem:$0x3FB2]  }
0x2f: {  	lr =	sadd.s32 s0, s3;
	s0 =	sld [smem:$0x3FA9]  }
0x30: {  	s3 =	sld [smem:$0x3FAC]  }
0x31: {  	[smem:$0x3FB5] =	sst s10  }
0x32: {  	s10 =	sld [smem:$0x3FB3];
	_ =	sdelay $0x3  }
0x33: {  	p0 =	seq.s32 s10, $0x1;
	s10 =	sld [smem:$0x3FB5];
	_ =	sdelay $0x3  }
0x34: {  	[smem:$0x3FB5] =	sst s10  }
0x35: {  	s10 =	sld [smem:$0x3FB4];
	_ =	sdelay $0x3  }
0x36: {  	p1 =	seq.s32 s10, $0x1;
	s10 =	sld [smem:$0x3FB5];
	_ =	sdelay $0x3  }
0x37: {  	[smem:$0x3FB5] =	sst s10  }
0x38: {  	s10 =	sld [smem:$0x3FB6]  }
0x39: {  	_ = 	snop;
	(pc) =	sbr.ind lr, $3  }
0x3a: {  	_ = 	snop  }
0x3b: {  	_ = 	snop  }
0x3c: {  	p2 =	seq.s32 s10, $0x1;
	s10 =	sld [smem:$0x3FB5]  }
0x3d: {  	_ =	shalt  }
0x3e: {  	_ =	shalt  }
0x3f: {  	_ =	shalt  }
0x40: {  	_ =	shalt  }
0x41: {  	_ =	shalt  }
0x42: {  	_ =	shalt  }
0x43: {  	_ =	shalt  }
0x44: {  	_ =	shalt  }
0x45: {  	_ =	shalt  }
0x46: {  	_ =	shalt  }
0x47: {  	_ =	shalt  }
0x48: {  	_ =	shalt  }
0x49: {  	_ =	shalt  }
0x4a: {  	_ =	shalt  }
0x4b: {  	_ =	shalt  }
0x4c: {  	_ =	shalt  }
0x4d: {  	_ =	shalt  }
0x4e: {  	_ =	shalt  }
0x4f: {  	_ =	shalt  }
0x50: {  	_ =	shalt  }
0x51: {  	_ =	shalt  }
0x52: {  	_ =	shalt  }
0x53: {  	_ =	shalt  }
0x54: {  	_ =	shalt  }
0x55: {  	_ =	shalt  }
0x56: {  	_ =	shalt  }
0x57: {  	_ =	shalt  }
0x58: {  	_ =	shalt  }
0x59: {  	_ =	shalt  }
0x5a: {  	_ =	shalt  }
0x5b: {  	_ =	shalt  }
0x5c: {  	_ =	shalt  }
0x5d: {  	_ =	shalt  }
0x5e: {  	_ =	shalt  }
0x5f: {  	_ =	shalt  }
0x60: {  	_ =	shalt  }
0x61: {  	_ =	shalt  }
0x62: {  	_ =	shalt  }
0x63: {  	_ =	shalt  }
0x64: {  	_ =	shalt  }
0x65: {  	_ =	shalt  }
0x66: {  	_ =	shalt  }
0x67: {  	_ =	shalt  }
0x68: {  	_ =	shalt  }
0x69: {  	_ =	shalt  }
0x6a: {  	_ =	shalt  }
0x6b: {  	_ =	shalt  }
0x6c: {  	_ =	shalt  }
0x6d: {  	_ =	shalt  }
0x6e: {  	_ =	shalt  }
0x6f: {  	_ =	shalt  }
0x70: {  	_ =	shalt  }
0x71: {  	_ =	shalt  }
0x72: {  	_ =	shalt  }
0x73: {  	_ =	shalt  }
0x74: {  	_ =	shalt  }
0x75: {  	_ =	shalt  }
0x76: {  	_ =	shalt  }
0x77: {  	_ =	shalt  }
0x78: {  	_ =	shalt  }
0x79: {  	_ =	shalt  }
0x7a: {  	_ =	shalt  }
0x7b: {  	_ =	shalt  }
0x7c: {  	_ =	shalt  }
0x7d: {  	_ =	shalt  }
0x7e: {  	_ =	shalt  }
0x7f: {  	_ =	shalt  }
0x80: {  	_ =	shalt  }
0x81: {  	_ =	shalt  }
0x82: {  	_ =	shalt  }
0x83: {  	_ =	shalt  }
0x84: {  	_ =	shalt  }
0x85: {  	_ =	shalt  }
0x86: {  	_ =	shalt  }
0x87: {  	_ =	shalt  }
.Lfunc_end0:
.L_simem_size_0:
called_computation.2_lowered:
.L_overlay_start_0:
0x88: {  	s2 =	sld [smem:$0x3FD9]  }
0x89: {  	s3 =	sld [smem:$0x3FFE];
	_ =	sdelay $0x1  }
0x8a: {  	s1 =	srdreg.scid  }
0x8b: {  	s0 =	sand.u32 $0x1, s1  }
0x8c: {  	s16 =	sshll.u32 s0, $0xA;
	s2 =	sadd.s32 s3, s2  }
0x8d: {  	s2 =	sadd.s32 s2, s16  }
0x8e: {  	[smem:$0x3FC1] =	sst s2  }
0x8f: {  	_ = 	snop  }
0x90: {  	(tm) =	ssettm $0x1  }
0x91: {  	s17 =	sld [smem:$0x3FFB];
	_ =	sdelay $0x3  }
0x92: {  	_ =	strace s17  }
0x93: {  	s2 =	sld [smem:$0x3FFC];
	_ =	sdelay $0x3  }
0x94: {  	_ =	strace s2  }
0x95: {  	s2 =	sld [smem:$0x3FFD];
	_ =	sdelay $0x3  }
0x96: {  	_ =	strace s2  }
0x97: {  	_ =	strace $0x8FFFFFFF  }
0x98: {  	s18 =	sld [smem:$0x3FDB];
	_ =	sdelay $0x1  }
0x99: {  	s19 =	simm.s32 $_scs_section_size  }
0x9a: {  	s4 =	simm.s32 $_size__tile_overlayer_lowered;
	s5 =	simm.s32 $_tile_overlayer_lowered  }
0x9b: {  	s22 =	simm.s32 $0x1BFF;
	s21 =	sshll.u32 s5, $0x1;
	s2 =	sadd.s32 s19, s18  }
0x9c: {  	s6 =	simm.s32 $0x0;
	s20 =	sshll.u32 s4, $0x1;
	s4 =	sadd.s32 s21, s2  }
0x9d: {  	[timem:s6], [sflag:s22] =	dma.local [hbm:s4], s20  }
0x9e: {  	_ =	swait.ge [sflag:s22], s20  }
0x9f: {  	s3 =	ssub.s32 $0x0, s20;
	[sflag:s22] =	ssyncset.done $0x0  }
0xa0: {  	[sflag:s22] =	ssyncadd.s32 s3;
	_ =	sdelay $0x1  }
0xa1: {  	s23 =	simm.s32 $0x1B8B  }
0xa2: {  	_ =	swait.ge [sflag:s23], $0x1  }
0xa3: {  	[sflag:s23] =	ssyncset.done $0x0  }
0xa4: {  	s25 =	simm.s32 $0x1B8E;
	s24 =	sld [smem:$0x3FFE];
	[sflag:s23] =	ssyncadd.s32 $0xFFFFFFFF  }
0xa5: {  	s26 =	simm.s32 $execute0_lowered;
	[smem:$0x3FD2] =	sst s25  }
0xa6: {  	s4 =	sshll.u32 s26, $0x1;
	_ =	strace $0x8000004C;
	[dreg:$0x1] =	wrdreg $0xFFFFFFFF  }
0xa7: {  	s28 =	simm.s32 $_size_execute0_lowered;
	s2 =	sadd.s32 s2, s4;
	[dreg:$0x0] =	wrdreg $0x0  }
0xa8: {  	s4 =	sshll.u32 s28, $0x1;
	[dreg:$0x2] =	wrdreg s2  }
0xa9: {  	[dreg:$0x3] =	wrdreg s4  }
0xaa: {  	[dreg:$0x4] =	wrdreg $0xC0  }
0xab: {  	_ =	task [dreg:s6], $0x5FFFF  }
0xac: {  	[dreg:$0x1] =	wrdreg $0xFFFFFFFF  }
0xad: {  	[dreg:$0x0] =	wrdreg $0x60  }
0xae: {  	[dreg:$0x2] =	wrdreg s24  }
0xaf: {  	[dreg:$0x3] =	wrdreg $0xA8000  }
0xb0: {  	[dreg:$0x4] =	wrdreg $0x9  }
0xb1: {  	_ =	task.clear_ibuf [dreg:s6], $0x5FFFF;
	_ =	strace $0x9000004C  }
0xb2: {  	s29 =	simm.s32 $0x9;
	_ =	strace $0x8000004E  }
0xb3: {  	_ =	swait.ge [sflag:s29], $0x1  }
0xb4: {  	[sflag:s29] =	ssyncadd.s32 $0xFFFFFFFF  }
0xb5: {  	_ =	strace $0x9000004E  }
0xb6: {  	_ =	sfence  }
0xb7: {  	s30 =	sld [smem:$0x0];
	_ =	sdelay $0x2  }
0xb8: {  	s31 =	sshll.u32 s1, $0xD;
	s1 =	sshrl.u32 s1, $0x2  }
0xb9: {  	s3 =	sand.u32 $0x4000, s31;
	s1 =	sadd.s32 s1, s30  }
0xba: {  	s0 =	sor.u32 s3, s0;
	s1 =	sshll.u32 s1, $0x11  }
0xbb: {  	s0 =	sor.u32 s1, s0  }
0xbc: {  	s0 =	sadd.s32 $0x8F2B, s0  }
0xbd: {  	[sflag:s0] =	ssyncadd.remote.s32 $0x1  }
0xbe: {  	_ =	sfence.sel $0xFFFF  }
0xbf: {  	[dreg:$0x0] =	wrdreg $0xFFFFFFFF;
	(pc) =	sbr.abs _section_cstart, $3  }
0xc0: {  	[dreg:$0x1] =	wrdreg $0xFFFFFFFF  }
0xc1: {  	_ =	task.clear_ibuf [dreg:s6], $0x2FFFF;
	_ =	strace $0x9FFFFFFF  }
0xc2: {  	(tm) =	ssettm $0x7FFFFFFF  }
0xc3: {  	_ =	shalt  }
tec
execute0_lowered:
.L_overlay_start_1:
0x0: {  	(tag) =	ssettag $0x1  }
0x1: {  	s8 =	rddreg [dreg:$0x0]  }
0x2: {  	s1 =	rddreg [dreg:$0x1]  }
0x3: {  	s0 =	rddreg [dreg:$0x2];
	s2 =	simm.s32 $0x0;
	s4 =	srdreg.scid  }
0x4: {  	s16 =	simm.s32 $0x40;
	s17 =	simm.s32 $0x2800;
	s18 =	simm.s32 $0x4800  }
0x5: {  	s19 =	simm.s32 $0x6800;
	s20 =	simm.s32 $0x8800;
	s21 =	simm.s32 $0x1  }
0x6: {  	s22 =	simm.s32 $0x2;
	s23 =	simm.s32 $0x3;
	[smem:$0x7FF] =	sst s2  }
0x7: {  	s3 =	sadd.s32 $0x6DE00, s8;
	s5 =	sadd.s32 $0x63E00, s8;
	s9 =	sand.u32 $0x1, s4  }
0x8: {  	s6 =	sadd.s32 $0x59E00, s8;
	s4 =	stileid.u32;
	s10 =	smul.u32 $0x28000, s9  }
0x9: {  	s7 =	sadd.s32 $0x7600, s8;
	_ =	strace $0x8000004D;
	s12 =	smul.u32 $0x50000, s4  }
0xa: {  	s11 =	ssub.s32 $0x2, s9;
	s28 =	smul.u32 $0x1400, s4;
	s30 =	sshll.u32 s4, $0x6  }
0xb: {  	p0 =	seq.s32 s9, $0x1;
	s9 =	smul.u32 $0x78, s4;
	s26 =	sshrl.u32 s11, $0x1  }
0xc: {  	s25 =	smul.u32 $0x2800, s4;
	s13 =	sadd.s32 s10, s8;
	s14 =	ssub.s32 s11, s26  }
.Ltmp0:
0xd: {  	s29 =	sshrl.u32 s12, $0x2;
	s10 =	sshrl.u32 s28, $0x3;
	(pc) =	sbr.rel .LBB2_1-.Ltmp0, $4  }
0xe: {  	s8 =	sor.u32 $0x1C05, s30;
	s15 =	sadd.s32 s29, s1;
	s31 =	sadd.s32 $0x7800, s10  }
0xf: {  	s24 =	sadd.s32 $0x95E00, s13;
	s12 =	smax.u32 s14, $0x1;
	s14 =	simm.s32 $0x5  }
0x10: {  	s10 =	sadd.s32 s5, s31;
	s11 =	sadd.s32 s6, s31;
	s13 =	sshrl.u32 s15, $0x3  }
0x11: {  	s15 =	simm.s32 $0x1400;
	s24 =	sadd.s32 s25, s24;
	s25 =	simm.s32 $0x4  }
.LBB2_8:
0x12: {  	s2 =	sadd.s32 $0x1, s2  }
0x13: {  	p1 =	sne.s32 s2, s12  }
.Ltmp1:
0x14: {  	[bflag:$0x0] =	sbarrier.arrive $0xFFFF;
	(pc) =	sbr.rel @!p1 .LBB2_9-.Ltmp1, $4  }
0x15: {  	[hbm:s24], [sflag:s8] =	dma.local [spmem:s13], $0x2800  }
0x16: {  	_ =	swait.ge [sflag:s14], $0x2800  }
0x17: {  	[sflag:s14] =	ssyncset.done $0x0  }
0x18: {  	[sflag:s14] =	ssyncadd.s32 $0xFFFFD800  }
.LBB2_1:
0x19: {  	[spmem:s13], [sflag:s8] =	dma.local [hbm:s7], $0x2800  }
.Ltmp2:
0x1a: {  	_ =	swait.ge [sflag:s14], $0x2800;
	(pc) =	sbr.rel @!p0 .LBB2_2-.Ltmp2, $4  }
0x1b: {  	[sflag:s14] =	ssyncset.done $0x0  }
0x1c: {  	[sflag:s14] =	ssyncadd.s32 $0xFFFFD800  }
0x1d: {  	[bflag:$0x0] =	sbarrier.arrive $0xFFFF  }
0x1e: {  	s26 =	simm.s32 $0x0  }
0x1f: {  	s26 =	simm.s32 $0x0  }
0x20: {  	[tilespmem:s26], [sflag:$0x5] =	stream.linear.gather [hbm4b:s10+s26], $0x1400, $0x38;
	[tilespmem:$0x1E800] =	vst v63  }
0x21: {  	_ =	swait.ge [sflag:s14], $0x1400  }
0x22: {  	[sflag:s14] =	ssyncset.done $0x0  }
0x23: {  	[sflag:s14] =	ssyncadd.s32 $0xFFFFEC00  }
0x24: {  	[tilespmem:s15], [sflag:$0x5] =	stream.linear.gather [hbm4b:s11+s26], $0x1400, $0x38;
	[tilespmem:$0x1E800] =	vst v63  }
0x25: {  	_ =	swait.ge [sflag:s14], $0x1400  }
0x26: {  	[sflag:s14] =	ssyncset.done $0x0  }
0x27: {  	s29 =	simm.s32 $0x0;
	[sflag:s14] =	ssyncadd.s32 $0xFFFFEC00  }
0x28: {  	[tilespmem:s17], [sflag:$0x1] =	stream.indirect.gather [hbm4b:s3+s16], $0x80, s29, s16, $0xb8;
	[tilespmem:$0x1E800] =	vst v63  }
0x29: {  	s31 =	simm.s32 $0x80  }
0x2a: {  	[tilespmem:s18], [sflag:$0x2] =	stream.indirect.gather [hbm4b:s3+s16], $0x80, s31, s16, $0xb8;
	[tilespmem:$0x1E800] =	vst v63  }
0x2b: {  	s28 =	simm.s32 $0x100  }
0x2c: {  	[tilespmem:s19], [sflag:$0x3] =	stream.indirect.gather [hbm4b:s3+s16], $0x80, s28, s16, $0xb8;
	[tilespmem:$0x1E800] =	vst v63  }
0x2d: {  	s29 =	simm.s32 $0x180  }
0x2e: {  	[tilespmem:s20], [sflag:$0x4] =	stream.indirect.gather [hbm4b:s3+s16], $0x80, s29, s16, $0xb8;
	[tilespmem:$0x1E800] =	vst v63  }
0x2f: {  	_ =	swait.ge [sflag:s21], $0x2000  }
0x30: {  	[sflag:s21] =	ssyncset.done $0x0  }
0x31: {  	s31 =	simm.s32 $0x1400;
	[sflag:s21] =	ssyncadd.s32 $0xFFFFE000  }
0x32: {  	[spmem:s1] =	stream.indirect.scatter.add.f32 [tilespmem:s17], [sflag:$0x5], $0x80, s31, s16, $0xb8;
	[tilespmem:$0x1E800] =	vst v63  }
0x33: {  	_ =	swait.ge [sflag:s14], $0x2000  }
0x34: {  	[sflag:s14] =	ssyncset.done $0x0  }
0x35: {  	[sflag:s14] =	ssyncadd.s32 $0xFFFFE000  }
0x36: {  	_ =	swait.ge [sflag:s22], $0x2000  }
0x37: {  	[sflag:s22] =	ssyncset.done $0x0  }
0x38: {  	s28 =	simm.s32 $0x1480;
	[sflag:s22] =	ssyncadd.s32 $0xFFFFE000  }
0x39: {  	[spmem:s1] =	stream.indirect.scatter.add.f32 [tilespmem:s18], [sflag:$0x5], $0x80, s28, s16, $0xb8;
	[tilespmem:$0x1E800] =	vst v63  }
0x3a: {  	_ =	swait.ge [sflag:s14], $0x2000  }
0x3b: {  	[sflag:s14] =	ssyncset.done $0x0  }
0x3c: {  	[sflag:s14] =	ssyncadd.s32 $0xFFFFE000  }
0x3d: {  	_ =	swait.ge [sflag:s23], $0x2000  }
0x3e: {  	[sflag:s23] =	ssyncset.done $0x0  }
0x3f: {  	s29 =	simm.s32 $0x1500;
	[sflag:s23] =	ssyncadd.s32 $0xFFFFE000  }
0x40: {  	[spmem:s1] =	stream.indirect.scatter.add.f32 [tilespmem:s19], [sflag:$0x5], $0x80, s29, s16, $0xb8;
	[tilespmem:$0x1E800] =	vst v63  }
0x41: {  	_ =	swait.ge [sflag:s14], $0x2000  }
0x42: {  	[sflag:s14] =	ssyncset.done $0x0  }
0x43: {  	[sflag:s14] =	ssyncadd.s32 $0xFFFFE000  }
0x44: {  	_ =	swait.ge [sflag:s25], $0x2000  }
0x45: {  	[sflag:s25] =	ssyncset.done $0x0  }
0x46: {  	s31 =	simm.s32 $0x1580;
	[sflag:s25] =	ssyncadd.s32 $0xFFFFE000  }
0x47: {  	[spmem:s1] =	stream.indirect.scatter.add.f32 [tilespmem:s20], [sflag:$0x5], $0x80, s31, s16, $0xb8;
	[tilespmem:$0x1E800] =	vst v63  }
0x48: {  	_ =	swait.ge [sflag:s14], $0x2000  }
0x49: {  	s30 =	simm.s32 $0x1000;
	s26 =	simm.s32 $0x800;
	[sflag:s14] =	ssyncset.done $0x0  }
.LBB2_6:
0x4a: {  	s29 =	sshra.s32 s26, $0x2  }
0x4b: {  	[sflag:s14] =	ssyncadd.s32 $0xFFFFE000;
	s26 =	smov.u32 s30;
	s28 =	sadd.s32 $0x800, s30  }
0x4c: {  	[tilespmem:s17], [sflag:$0x1] =	stream.indirect.gather [hbm4b:s3+s16], $0x80, s29, s16, $0xb8;
	[tilespmem:$0x1E800] =	vst v63  }
0x4d: {  	p1 =	sne.s32 s30, $0x4800;
	s30 =	sadd.s32 $0x80, s29  }
0x4e: {  	[tilespmem:s18], [sflag:$0x2] =	stream.indirect.gather [hbm4b:s3+s16], $0x80, s30, s16, $0xb8;
	[tilespmem:$0x1E800] =	vst v63  }
0x4f: {  	s30 =	sadd.s32 $0x100, s29  }
0x50: {  	[tilespmem:s19], [sflag:$0x3] =	stream.indirect.gather [hbm4b:s3+s16], $0x80, s30, s16, $0xb8;
	[tilespmem:$0x1E800] =	vst v63  }
0x51: {  	s30 =	sadd.s32 $0x180, s29  }
0x52: {  	[tilespmem:s20], [sflag:$0x4] =	stream.indirect.gather [hbm4b:s3+s16], $0x80, s30, s16, $0xb8;
	[tilespmem:$0x1E800] =	vst v63  }
0x53: {  	_ =	swait.ge [sflag:s21], $0x2000  }
0x54: {  	[sflag:s21] =	ssyncset.done $0x0  }
0x55: {  	s30 =	sadd.s32 $0x1400, s29;
	[sflag:s21] =	ssyncadd.s32 $0xFFFFE000  }
0x56: {  	[spmem:s1] =	stream.indirect.scatter.add.f32 [tilespmem:s17], [sflag:$0x5], $0x80, s30, s16, $0xb8;
	[tilespmem:$0x1E800] =	vst v63  }
0x57: {  	_ =	swait.ge [sflag:s14], $0x2000  }
0x58: {  	[sflag:s14] =	ssyncset.done $0x0  }
0x59: {  	[sflag:s14] =	ssyncadd.s32 $0xFFFFE000  }
0x5a: {  	_ =	swait.ge [sflag:s22], $0x2000  }
0x5b: {  	[sflag:s22] =	ssyncset.done $0x0  }
0x5c: {  	s30 =	sadd.s32 $0x1480, s29;
	[sflag:s22] =	ssyncadd.s32 $0xFFFFE000  }
0x5d: {  	[spmem:s1] =	stream.indirect.scatter.add.f32 [tilespmem:s18], [sflag:$0x5], $0x80, s30, s16, $0xb8;
	[tilespmem:$0x1E800] =	vst v63  }
0x5e: {  	_ =	swait.ge [sflag:s14], $0x2000  }
0x5f: {  	[sflag:s14] =	ssyncset.done $0x0  }
0x60: {  	[sflag:s14] =	ssyncadd.s32 $0xFFFFE000  }
0x61: {  	_ =	swait.ge [sflag:s23], $0x2000  }
0x62: {  	[sflag:s23] =	ssyncset.done $0x0  }
0x63: {  	s30 =	sadd.s32 $0x1500, s29;
	[sflag:s23] =	ssyncadd.s32 $0xFFFFE000  }
0x64: {  	[spmem:s1] =	stream.indirect.scatter.add.f32 [tilespmem:s19], [sflag:$0x5], $0x80, s30, s16, $0xb8;
	[tilespmem:$0x1E800] =	vst v63  }
0x65: {  	_ =	swait.ge [sflag:s14], $0x2000  }
0x66: {  	[sflag:s14] =	ssyncset.done $0x0  }
0x67: {  	[sflag:s14] =	ssyncadd.s32 $0xFFFFE000  }
0x68: {  	_ =	swait.ge [sflag:s25], $0x2000  }
.Ltmp3:
0x69: {  	[sflag:s25] =	ssyncset.done $0x0;
	(pc) =	sbr.rel @p1 .LBB2_6-.Ltmp3, $4  }
0x6a: {  	s29 =	sadd.s32 $0x1580, s29;
	[sflag:s25] =	ssyncadd.s32 $0xFFFFE000  }
0x6b: {  	[spmem:s1] =	stream.indirect.scatter.add.f32 [tilespmem:s20], [sflag:$0x5], $0x80, s29, s16, $0xb8;
	[tilespmem:$0x1E800] =	vst v63  }
0x6c: {  	_ =	swait.ge [sflag:s14], $0x2000  }
0x6d: {  	s30 =	smov.u32 s28;
	[sflag:s14] =	ssyncset.done $0x0  }
0x6e: {  	s26 =	sshra.s32 s26, $0x2;
	[sflag:s14] =	ssyncadd.s32 $0xFFFFE000  }
0x6f: {  	[tilespmem:s17], [sflag:$0x1] =	stream.indirect.gather [hbm4b:s3+s16], $0x80, s26, s16, $0xb8;
	[tilespmem:$0x1E800] =	vst v63  }
0x70: {  	s28 =	sadd.s32 $0x80, s26  }
0x71: {  	[tilespmem:s18], [sflag:$0x2] =	stream.indirect.gather [hbm4b:s3+s16], $0x80, s28, s16, $0xb8;
	[tilespmem:$0x1E800] =	vst v63  }
0x72: {  	s30 =	sadd.s32 $0x100, s26  }
0x73: {  	[tilespmem:s19], [sflag:$0x3] =	stream.indirect.gather [hbm4b:s3+s16], $0x80, s30, s16, $0xb8;
	[tilespmem:$0x1E800] =	vst v63  }
0x74: {  	s31 =	sadd.s32 $0x180, s26  }
0x75: {  	[tilespmem:s20], [sflag:$0x4] =	stream.indirect.gather [hbm4b:s3+s16], $0x80, s31, s16, $0xb8;
	[tilespmem:$0x1E800] =	vst v63  }
0x76: {  	_ =	swait.ge [sflag:s21], $0x2000  }
0x77: {  	[sflag:s21] =	ssyncset.done $0x0  }
0x78: {  	s29 =	sadd.s32 $0x1400, s26;
	[sflag:s21] =	ssyncadd.s32 $0xFFFFE000  }
0x79: {  	[spmem:s1] =	stream.indirect.scatter.add.f32 [tilespmem:s17], [sflag:$0x5], $0x80, s29, s16, $0xb8;
	[tilespmem:$0x1E800] =	vst v63  }
0x7a: {  	_ =	swait.ge [sflag:s14], $0x2000  }
0x7b: {  	[sflag:s14] =	ssyncset.done $0x0  }
0x7c: {  	[sflag:s14] =	ssyncadd.s32 $0xFFFFE000  }
0x7d: {  	_ =	swait.ge [sflag:s22], $0x2000  }
0x7e: {  	[sflag:s22] =	ssyncset.done $0x0  }
0x7f: {  	s30 =	sadd.s32 $0x1480, s26;
	[sflag:s22] =	ssyncadd.s32 $0xFFFFE000  }
0x80: {  	[spmem:s1] =	stream.indirect.scatter.add.f32 [tilespmem:s18], [sflag:$0x5], $0x80, s30, s16, $0xb8;
	[tilespmem:$0x1E800] =	vst v63  }
0x81: {  	_ =	swait.ge [sflag:s14], $0x2000  }
0x82: {  	[sflag:s14] =	ssyncset.done $0x0  }
0x83: {  	[sflag:s14] =	ssyncadd.s32 $0xFFFFE000  }
0x84: {  	_ =	swait.ge [sflag:s23], $0x2000  }
0x85: {  	[sflag:s23] =	ssyncset.done $0x0  }
0x86: {  	s31 =	sadd.s32 $0x1500, s26;
	[sflag:s23] =	ssyncadd.s32 $0xFFFFE000  }
0x87: {  	[spmem:s1] =	stream.indirect.scatter.add.f32 [tilespmem:s19], [sflag:$0x5], $0x80, s31, s16, $0xb8;
	[tilespmem:$0x1E800] =	vst v63  }
0x88: {  	_ =	swait.ge [sflag:s14], $0x2000  }
0x89: {  	[sflag:s14] =	ssyncset.done $0x0  }
0x8a: {  	[sflag:s14] =	ssyncadd.s32 $0xFFFFE000  }
0x8b: {  	_ =	swait.ge [sflag:s25], $0x2000  }
0x8c: {  	[sflag:s25] =	ssyncset.done $0x0  }
.Ltmp4:
0x8d: {  	s26 =	sadd.s32 $0x1580, s26;
	[sflag:s25] =	ssyncadd.s32 $0xFFFFE000;
	(pc) =	sbr.rel .LBB2_8-.Ltmp4, $4  }
0x8e: {  	[spmem:s1] =	stream.indirect.scatter.add.f32 [tilespmem:s20], [sflag:$0x5], $0x80, s26, s16, $0xb8;
	[tilespmem:$0x1E800] =	vst v63  }
0x8f: {  	_ =	swait.ge [sflag:s14], $0x2000  }
0x90: {  	[sflag:s14] =	ssyncset.done $0x0  }
0x91: {  	[sflag:s14] =	ssyncadd.s32 $0xFFFFE000  }
.LBB2_2:
0x92: {  	s28 =	smul.u32 $0x28, s26;
	_ =	sdelay $0x1  }
0x93: {  	s28 =	sadd.s32 s9, s28  }
0x94: {  	s28 =	sshll.u32 s28, $0x4  }
0x95: {  	s30 =	simm.s32 $0x0;
	s29 =	sadd.s32 s5, s28  }
0x96: {  	[tilespmem:s30], [sflag:$0x5] =	stream.linear.gather [hbm4b:s29+s30], $0x1400, $0x38;
	[tilespmem:$0x1E800] =	vst v63  }
0x97: {  	_ =	swait.ge [sflag:s14], $0x1400  }
0x98: {  	[sflag:s14] =	ssyncset.done $0x0  }
0x99: {  	s28 =	sadd.s32 s6, s28;
	[sflag:s14] =	ssyncadd.s32 $0xFFFFEC00  }
0x9a: {  	[tilespmem:s15], [sflag:$0x5] =	stream.linear.gather [hbm4b:s28+s30], $0x1400, $0x38;
	[tilespmem:$0x1E800] =	vst v63  }
0x9b: {  	_ =	swait.ge [sflag:s14], $0x1400  }
0x9c: {  	[sflag:s14] =	ssyncset.done $0x0  }
0x9d: {  	s28 =	simm.s32 $0x0;
	[sflag:s14] =	ssyncadd.s32 $0xFFFFEC00  }
0x9e: {  	[tilespmem:s17], [sflag:$0x1] =	stream.indirect.gather [hbm4b:s3+s16], $0x80, s28, s16, $0xb8;
	[tilespmem:$0x1E800] =	vst v63  }
0x9f: {  	s28 =	simm.s32 $0x80  }
0xa0: {  	[tilespmem:s18], [sflag:$0x2] =	stream.indirect.gather [hbm4b:s3+s16], $0x80, s28, s16, $0xb8;
	[tilespmem:$0x1E800] =	vst v63  }
0xa1: {  	s28 =	simm.s32 $0x100  }
0xa2: {  	[tilespmem:s19], [sflag:$0x3] =	stream.indirect.gather [hbm4b:s3+s16], $0x80, s28, s16, $0xb8;
	[tilespmem:$0x1E800] =	vst v63  }
0xa3: {  	s28 =	simm.s32 $0x180  }
0xa4: {  	[tilespmem:s20], [sflag:$0x4] =	stream.indirect.gather [hbm4b:s3+s16], $0x80, s28, s16, $0xb8;
	[tilespmem:$0x1E800] =	vst v63  }
0xa5: {  	_ =	swait.ge [sflag:s21], $0x2000  }
0xa6: {  	[sflag:s21] =	ssyncset.done $0x0  }
0xa7: {  	s28 =	simm.s32 $0x1400;
	[sflag:s21] =	ssyncadd.s32 $0xFFFFE000  }
0xa8: {  	[spmem:s1] =	stream.indirect.scatter.add.f32 [tilespmem:s17], [sflag:$0x5], $0x80, s28, s16, $0xb8;
	[tilespmem:$0x1E800] =	vst v63  }
0xa9: {  	_ =	swait.ge [sflag:s14], $0x2000  }
0xaa: {  	[sflag:s14] =	ssyncset.done $0x0  }
0xab: {  	[sflag:s14] =	ssyncadd.s32 $0xFFFFE000  }
0xac: {  	_ =	swait.ge [sflag:s22], $0x2000  }
0xad: {  	[sflag:s22] =	ssyncset.done $0x0  }
0xae: {  	s28 =	simm.s32 $0x1480;
	[sflag:s22] =	ssyncadd.s32 $0xFFFFE000  }
0xaf: {  	[spmem:s1] =	stream.indirect.scatter.add.f32 [tilespmem:s18], [sflag:$0x5], $0x80, s28, s16, $0xb8;
	[tilespmem:$0x1E800] =	vst v63  }
0xb0: {  	_ =	swait.ge [sflag:s14], $0x2000  }
0xb1: {  	[sflag:s14] =	ssyncset.done $0x0  }
0xb2: {  	[sflag:s14] =	ssyncadd.s32 $0xFFFFE000  }
0xb3: {  	_ =	swait.ge [sflag:s23], $0x2000  }
0xb4: {  	[sflag:s23] =	ssyncset.done $0x0  }
0xb5: {  	s28 =	simm.s32 $0x1500;
	[sflag:s23] =	ssyncadd.s32 $0xFFFFE000  }
0xb6: {  	[spmem:s1] =	stream.indirect.scatter.add.f32 [tilespmem:s19], [sflag:$0x5], $0x80, s28, s16, $0xb8;
	[tilespmem:$0x1E800] =	vst v63  }
0xb7: {  	_ =	swait.ge [sflag:s14], $0x2000  }
0xb8: {  	[sflag:s14] =	ssyncset.done $0x0  }
0xb9: {  	[sflag:s14] =	ssyncadd.s32 $0xFFFFE000  }
0xba: {  	_ =	swait.ge [sflag:s25], $0x2000  }
0xbb: {  	[sflag:s25] =	ssyncset.done $0x0  }
0xbc: {  	s28 =	simm.s32 $0x1580;
	[sflag:s25] =	ssyncadd.s32 $0xFFFFE000  }
0xbd: {  	[spmem:s1] =	stream.indirect.scatter.add.f32 [tilespmem:s20], [sflag:$0x5], $0x80, s28, s16, $0xb8;
	[tilespmem:$0x1E800] =	vst v63  }
0xbe: {  	_ =	swait.ge [sflag:s14], $0x2000  }
0xbf: {  	s31 =	simm.s32 $0x1000;
	s28 =	simm.s32 $0x800;
	[sflag:s14] =	ssyncset.done $0x0  }
.LBB2_3:
0xc0: {  	s30 =	sshra.s32 s28, $0x2  }
0xc1: {  	[sflag:s14] =	ssyncadd.s32 $0xFFFFE000;
	s28 =	smov.u32 s31;
	s29 =	sadd.s32 $0x800, s31  }
0xc2: {  	[tilespmem:s17], [sflag:$0x1] =	stream.indirect.gather [hbm4b:s3+s16], $0x80, s30, s16, $0xb8;
	[tilespmem:$0x1E800] =	vst v63  }
0xc3: {  	p1 =	sne.s32 s31, $0x4800;
	s31 =	sadd.s32 $0x80, s30  }
0xc4: {  	[tilespmem:s18], [sflag:$0x2] =	stream.indirect.gather [hbm4b:s3+s16], $0x80, s31, s16, $0xb8;
	[tilespmem:$0x1E800] =	vst v63  }
0xc5: {  	s31 =	sadd.s32 $0x100, s30  }
0xc6: {  	[tilespmem:s19], [sflag:$0x3] =	stream.indirect.gather [hbm4b:s3+s16], $0x80, s31, s16, $0xb8;
	[tilespmem:$0x1E800] =	vst v63  }
0xc7: {  	s31 =	sadd.s32 $0x180, s30  }
0xc8: {  	[tilespmem:s20], [sflag:$0x4] =	stream.indirect.gather [hbm4b:s3+s16], $0x80, s31, s16, $0xb8;
	[tilespmem:$0x1E800] =	vst v63  }
0xc9: {  	_ =	swait.ge [sflag:s21], $0x2000  }
0xca: {  	[sflag:s21] =	ssyncset.done $0x0  }
0xcb: {  	s31 =	sadd.s32 $0x1400, s30;
	[sflag:s21] =	ssyncadd.s32 $0xFFFFE000  }
0xcc: {  	[spmem:s1] =	stream.indirect.scatter.add.f32 [tilespmem:s17], [sflag:$0x5], $0x80, s31, s16, $0xb8;
	[tilespmem:$0x1E800] =	vst v63  }
0xcd: {  	_ =	swait.ge [sflag:s14], $0x2000  }
0xce: {  	[sflag:s14] =	ssyncset.done $0x0  }
0xcf: {  	[sflag:s14] =	ssyncadd.s32 $0xFFFFE000  }
0xd0: {  	_ =	swait.ge [sflag:s22], $0x2000  }
0xd1: {  	[sflag:s22] =	ssyncset.done $0x0  }
0xd2: {  	s31 =	sadd.s32 $0x1480, s30;
	[sflag:s22] =	ssyncadd.s32 $0xFFFFE000  }
0xd3: {  	[spmem:s1] =	stream.indirect.scatter.add.f32 [tilespmem:s18], [sflag:$0x5], $0x80, s31, s16, $0xb8;
	[tilespmem:$0x1E800] =	vst v63  }
0xd4: {  	_ =	swait.ge [sflag:s14], $0x2000  }
0xd5: {  	[sflag:s14] =	ssyncset.done $0x0  }
0xd6: {  	[sflag:s14] =	ssyncadd.s32 $0xFFFFE000  }
0xd7: {  	_ =	swait.ge [sflag:s23], $0x2000  }
0xd8: {  	[sflag:s23] =	ssyncset.done $0x0  }
0xd9: {  	s31 =	sadd.s32 $0x1500, s30;
	[sflag:s23] =	ssyncadd.s32 $0xFFFFE000  }
0xda: {  	[spmem:s1] =	stream.indirect.scatter.add.f32 [tilespmem:s19], [sflag:$0x5], $0x80, s31, s16, $0xb8;
	[tilespmem:$0x1E800] =	vst v63  }
0xdb: {  	_ =	swait.ge [sflag:s14], $0x2000  }
0xdc: {  	[sflag:s14] =	ssyncset.done $0x0  }
0xdd: {  	[sflag:s14] =	ssyncadd.s32 $0xFFFFE000  }
0xde: {  	_ =	swait.ge [sflag:s25], $0x2000  }
.Ltmp5:
0xdf: {  	[sflag:s25] =	ssyncset.done $0x0;
	(pc) =	sbr.rel @p1 .LBB2_3-.Ltmp5, $4  }
0xe0: {  	s30 =	sadd.s32 $0x1580, s30;
	[sflag:s25] =	ssyncadd.s32 $0xFFFFE000  }
0xe1: {  	[spmem:s1] =	stream.indirect.scatter.add.f32 [tilespmem:s20], [sflag:$0x5], $0x80, s30, s16, $0xb8;
	[tilespmem:$0x1E800] =	vst v63  }
0xe2: {  	_ =	swait.ge [sflag:s14], $0x2000  }
0xe3: {  	s31 =	smov.u32 s29;
	[sflag:s14] =	ssyncset.done $0x0  }
0xe4: {  	s28 =	sshra.s32 s28, $0x2;
	[sflag:s14] =	ssyncadd.s32 $0xFFFFE000  }
0xe5: {  	[tilespmem:s17], [sflag:$0x1] =	stream.indirect.gather [hbm4b:s3+s16], $0x80, s28, s16, $0xb8;
	[tilespmem:$0x1E800] =	vst v63  }
0xe6: {  	s29 =	sadd.s32 $0x80, s28  }
0xe7: {  	[tilespmem:s18], [sflag:$0x2] =	stream.indirect.gather [hbm4b:s3+s16], $0x80, s29, s16, $0xb8;
	[tilespmem:$0x1E800] =	vst v63  }
0xe8: {  	s31 =	sadd.s32 $0x100, s28  }
0xe9: {  	[tilespmem:s19], [sflag:$0x3] =	stream.indirect.gather [hbm4b:s3+s16], $0x80, s31, s16, $0xb8;
	[tilespmem:$0x1E800] =	vst v63  }
0xea: {  	s30 =	sadd.s32 $0x180, s28  }
0xeb: {  	[tilespmem:s20], [sflag:$0x4] =	stream.indirect.gather [hbm4b:s3+s16], $0x80, s30, s16, $0xb8;
	[tilespmem:$0x1E800] =	vst v63  }
0xec: {  	_ =	swait.ge [sflag:s21], $0x2000  }
0xed: {  	[sflag:s21] =	ssyncset.done $0x0  }
0xee: {  	s31 =	sadd.s32 $0x1400, s28;
	[sflag:s21] =	ssyncadd.s32 $0xFFFFE000  }
0xef: {  	[spmem:s1] =	stream.indirect.scatter.add.f32 [tilespmem:s17], [sflag:$0x5], $0x80, s31, s16, $0xb8;
	[tilespmem:$0x1E800] =	vst v63  }
0xf0: {  	_ =	swait.ge [sflag:s14], $0x2000  }
0xf1: {  	[sflag:s14] =	ssyncset.done $0x0  }
0xf2: {  	[sflag:s14] =	ssyncadd.s32 $0xFFFFE000  }
0xf3: {  	_ =	swait.ge [sflag:s22], $0x2000  }
0xf4: {  	[sflag:s22] =	ssyncset.done $0x0  }
0xf5: {  	s30 =	sadd.s32 $0x1480, s28;
	[sflag:s22] =	ssyncadd.s32 $0xFFFFE000  }
0xf6: {  	[spmem:s1] =	stream.indirect.scatter.add.f32 [tilespmem:s18], [sflag:$0x5], $0x80, s30, s16, $0xb8;
	[tilespmem:$0x1E800] =	vst v63  }
0xf7: {  	_ =	swait.ge [sflag:s14], $0x2000  }
0xf8: {  	[sflag:s14] =	ssyncset.done $0x0  }
0xf9: {  	[sflag:s14] =	ssyncadd.s32 $0xFFFFE000  }
0xfa: {  	_ =	swait.ge [sflag:s23], $0x2000  }
0xfb: {  	[sflag:s23] =	ssyncset.done $0x0  }
0xfc: {  	s31 =	sadd.s32 $0x1500, s28;
	[sflag:s23] =	ssyncadd.s32 $0xFFFFE000  }
0xfd: {  	[spmem:s1] =	stream.indirect.scatter.add.f32 [tilespmem:s19], [sflag:$0x5], $0x80, s31, s16, $0xb8;
	[tilespmem:$0x1E800] =	vst v63  }
0xfe: {  	_ =	swait.ge [sflag:s14], $0x2000  }
0xff: {  	[sflag:s14] =	ssyncset.done $0x0  }
0x100: {  	[sflag:s14] =	ssyncadd.s32 $0xFFFFE000  }
0x101: {  	_ =	swait.ge [sflag:s25], $0x2000  }
0x102: {  	s26 =	sadd.s32 $0x1, s26;
	[sflag:s25] =	ssyncset.done $0x0  }
0x103: {  	p1 =	seq.s32 s26, $0x3;
	s28 =	sadd.s32 $0x1580, s28;
	[sflag:s25] =	ssyncadd.s32 $0xFFFFE000  }
0x104: {  	[spmem:s1] =	stream.indirect.scatter.add.f32 [tilespmem:s20], [sflag:$0x5], $0x80, s28, s16, $0xb8;
	[tilespmem:$0x1E800] =	vst v63  }
.Ltmp6:
0x105: {  	_ = 	snop;
	(pc) =	sbr.rel @!p1 .LBB2_2-.Ltmp6, $4  }
.Ltmp7:
0x106: {  	_ = 	snop;
	(pc) =	sbr.rel @p1 .LBB2_8-.Ltmp7, $4  }
0x107: {  	_ =	swait.ge [sflag:s14], $0x2000  }
0x108: {  	[sflag:s14] =	ssyncset.done $0x0  }
0x109: {  	[sflag:s14] =	ssyncadd.s32 $0xFFFFE000  }
0x10a: {  	_ = 	snop  }
.LBB2_9:
0x10b: {  	_ =	sfence.sel $0x180000  }
0x10c: {  	[bflag:$0x0] =	sbarrier.arrive $0xFFFF  }
0x10d: {  	p0 =	sne.s32 s4, $0x0;
	_ =	strace $0x9000004D  }
0x10e: {  	s0 =	sadd.s32 @!p0 $0x100000, s0;
	[bflag:$0x2] =	sbarrier.arrive $0xFFFF  }
0x10f: {  	[sflag:s0] =	ssyncadd.tile.s32 @!p0 $0x1;
	_ =	shalt  }
.Lfunc_end2:
_tile_overlayer_lowered:
.L_overlay_start_2:
0x110: {  	(tag) =	ssettag $0x2  }
0x111: {  	s0 =	rddreg [dreg:$0x0];
	s2 =	stileid.u32  }
0x112: {  	s1 =	rddreg [dreg:$0x1];
	p0 =	sne.s32 s2, $0x0  }
0x113: {  	s3 =	rddreg [dreg:$0x2];
	[bflag:$0x3] =	sbarrier.arrive $0xFFFF;
	s2 =	simm.s32 @!p0 $0x1C05  }
0x114: {  	[timem:s3], [sflag:s2] =	dma.local @!p0 [hbm:s0], s1  }
0x115: {  	s0 =	simm.s32 @!p0 $0x5  }
0x116: {  	_ =	swait.ge @!p0 [sflag:s0], s1  }
0x117: {  	s1 =	ssub.s32 @!p0 $0x0, s1;
	[sflag:s0] =	ssyncset.done @!p0 $0x0  }
0x118: {  	[sflag:s0] =	ssyncadd.s32 @!p0 s1  }
0x119: {  	[bflag:$0x3] =	sbarrier.arrive $0xFFFF  }
0x11a: {  	_ =	shalt  }

// kernel: kernel.9.cloned.1.call-start
scs
__scs_entry_jumppad:
0x0: {  	(pc) =	sbr.rel $0x88, $3  }
0x1: {  	(tag) =	ssettag $0x0;
	lr =	simm.s32 $0x1  }
0x2: {  	[smem:$0x3F9A] =	sst lr;
	_ =	strace $0xD0000000  }
0x3: {  	_ = 	snop  }
0x4: {  	_ = 	snop  }
0x5: {  	_ = 	snop  }
0x6: {  	_ = 	snop  }
0x7: {  	_ = 	snop  }
__scs_overlays_trampoline_lowered:
0x8: {  	[smem:$0x3FA9] =	sst s0  }
0x9: {  	[smem:$0x3FAA] =	sst s1  }
0xa: {  	[smem:$0x3FAB] =	sst s2  }
0xb: {  	[smem:$0x3FAC] =	sst s3  }
0xc: {  	[smem:$0x3FAD] =	sst s4  }
0xd: {  	[smem:$0x3FAE] =	sst s5  }
0xe: {  	[smem:$0x3FAF] =	sst s6  }
0xf: {  	[smem:$0x3FB0] =	sst s7  }
0x10: {  	[smem:$0x3FB1] =	sst s8  }
0x11: {  	[smem:$0x3FB2] =	sst s9;
	s0 =	simm.s32 @!p0 $0x0  }
0x12: {  	s1 =	sld [smem:$0x3F98];
	s0 =	simm.s32 @p0 $0x1  }
0x13: {  	[smem:$0x3FB3] =	sst s0;
	s0 =	simm.s32 @!p1 $0x0  }
0x14: {  	s2 =	sld [smem:$0x3F97];
	s0 =	simm.s32 @p1 $0x1  }
0x15: {  	[smem:$0x3FB4] =	sst s0;
	s0 =	simm.s32 @!p2 $0x0  }
0x16: {  	s3 =	sld [smem:$0x3FDB];
	s0 =	simm.s32 @p2 $0x1  }
0x17: {  	s4 =	simm.s32 $0x1BF5;
	[smem:$0x3FB6] =	sst s0  }
0x18: {  	s0 =	sld [smem:$0x3F99];
	_ =	swait.ge [sflag:s4], $0x0  }
0x19: {  	s7 =	sld [smem:$0x3F9A]  }
0x1a: {  	s8 =	sadd.s32 $0xFFFFE003, lr  }
0x1b: {  	s9 =	sadd.s32 $0xFFFFFEF7, lr;
	s5 =	simm.s32 $0xFFFFFFFF;
	p2 =	slt.u32 s8, $0xFFFFF086  }
0x1c: {  	p1 =	slt.u32 s9, $0xF7A;
	s5 =	simm.s32 @!p2 $0x0  }
0x1d: {  	s5 =	simm.s32 @p1 $0x1;
	p0 =	seq.s32 s7, s2  }
0x1e: {  	s7 =	smul.u32 @!p0 $0xF7A, s2;
	p2 =	seq.s32 @!p0 s5, $0x0  }
0x1f: {  	s9 =	smul.u32 $0xF7A, s1;
	s8 =	simm.s32 @!p0 $0x1BF5;
	p2 =	por !p2, p0  }
0x20: {  	[sflag:s8] =	ssyncset.s32 @!p0 $0xFFFFF086;
	s6 =	sadd.s32 @!p0 s3, s7;
	s7 =	simm.s32 @!p0 $0x108  }
0x21: {  	s3 =	sadd.s32 s3, s9;
	s6 =	sadd.s32 @!p0 $0x88, s6;
	s7 =	simm.s32 @p2 $0x1082  }
0x22: {  	[simem:s7], [sflag:s8] =	dma.local @!p0 [hbm:s6], $0xF7A  }
0x23: {  	s9 =	sor.u32 $0xD0000000, s2;
	s6 =	simm.s32 $0x108;
	_ =	swait.ge @!p0 [sflag:s8], $0x0  }
0x24: {  	s3 =	sadd.s32 $0x88, s3;
	s6 =	simm.s32 @!p1 $0x1082;
	[sflag:s4] =	ssyncset.s32 $0xFFFFF086  }
0x25: {  	[simem:s6], [sflag:s4] =	dma.local [hbm:s3], $0xF7A  }
0x26: {  	[smem:$0x3F9A] =	sst s1;
	(tag) =	ssettag s2;
	_ =	strace s9  }
0x27: {  	s1 =	sld [smem:$0x3FAA]  }
0x28: {  	s2 =	sld [smem:$0x3FAB]  }
0x29: {  	s4 =	sld [smem:$0x3FAD]  }
0x2a: {  	p0 =	seq.s32 s5, $0x0;
	s5 =	sld [smem:$0x3FAE]  }
0x2b: {  	s6 =	sld [smem:$0x3FAF]  }
0x2c: {  	s7 =	sld [smem:$0x3FB0]  }
0x2d: {  	s3 =	simm.s32 $0x108;
	s8 =	sld [smem:$0x3FB1]  }
0x2e: {  	s3 =	simm.s32 @!p0 $0x1082;
	s9 =	sld [smem:$0x3FB2]  }
0x2f: {  	lr =	sadd.s32 s0, s3;
	s0 =	sld [smem:$0x3FA9]  }
0x30: {  	s3 =	sld [smem:$0x3FAC]  }
0x31: {  	[smem:$0x3FB5] =	sst s10  }
0x32: {  	s10 =	sld [smem:$0x3FB3];
	_ =	sdelay $0x3  }
0x33: {  	p0 =	seq.s32 s10, $0x1;
	s10 =	sld [smem:$0x3FB5];
	_ =	sdelay $0x3  }
0x34: {  	[smem:$0x3FB5] =	sst s10  }
0x35: {  	s10 =	sld [smem:$0x3FB4];
	_ =	sdelay $0x3  }
0x36: {  	p1 =	seq.s32 s10, $0x1;
	s10 =	sld [smem:$0x3FB5];
	_ =	sdelay $0x3  }
0x37: {  	[smem:$0x3FB5] =	sst s10  }
0x38: {  	s10 =	sld [smem:$0x3FB6]  }
0x39: {  	_ = 	snop;
	(pc) =	sbr.ind lr, $3  }
0x3a: {  	_ = 	snop  }
0x3b: {  	_ = 	snop  }
0x3c: {  	p2 =	seq.s32 s10, $0x1;
	s10 =	sld [smem:$0x3FB5]  }
0x3d: {  	_ =	shalt  }
0x3e: {  	_ =	shalt  }
0x3f: {  	_ =	shalt  }
0x40: {  	_ =	shalt  }
0x41: {  	_ =	shalt  }
0x42: {  	_ =	shalt  }
0x43: {  	_ =	shalt  }
0x44: {  	_ =	shalt  }
0x45: {  	_ =	shalt  }
0x46: {  	_ =	shalt  }
0x47: {  	_ =	shalt  }
0x48: {  	_ =	shalt  }
0x49: {  	_ =	shalt  }
0x4a: {  	_ =	shalt  }
0x4b: {  	_ =	shalt  }
0x4c: {  	_ =	shalt  }
0x4d: {  	_ =	shalt  }
0x4e: {  	_ =	shalt  }
0x4f: {  	_ =	shalt  }
0x50: {  	_ =	shalt  }
0x51: {  	_ =	shalt  }
0x52: {  	_ =	shalt  }
0x53: {  	_ =	shalt  }
0x54: {  	_ =	shalt  }
0x55: {  	_ =	shalt  }
0x56: {  	_ =	shalt  }
0x57: {  	_ =	shalt  }
0x58: {  	_ =	shalt  }
0x59: {  	_ =	shalt  }
0x5a: {  	_ =	shalt  }
0x5b: {  	_ =	shalt  }
0x5c: {  	_ =	shalt  }
0x5d: {  	_ =	shalt  }
0x5e: {  	_ =	shalt  }
0x5f: {  	_ =	shalt  }
0x60: {  	_ =	shalt  }
0x61: {  	_ =	shalt  }
0x62: {  	_ =	shalt  }
0x63: {  	_ =	shalt  }
0x64: {  	_ =	shalt  }
0x65: {  	_ =	shalt  }
0x66: {  	_ =	shalt  }
0x67: {  	_ =	shalt  }
0x68: {  	_ =	shalt  }
0x69: {  	_ =	shalt  }
0x6a: {  	_ =	shalt  }
0x6b: {  	_ =	shalt  }
0x6c: {  	_ =	shalt  }
0x6d: {  	_ =	shalt  }
0x6e: {  	_ =	shalt  }
0x6f: {  	_ =	shalt  }
0x70: {  	_ =	shalt  }
0x71: {  	_ =	shalt  }
0x72: {  	_ =	shalt  }
0x73: {  	_ =	shalt  }
0x74: {  	_ =	shalt  }
0x75: {  	_ =	shalt  }
0x76: {  	_ =	shalt  }
0x77: {  	_ =	shalt  }
0x78: {  	_ =	shalt  }
0x79: {  	_ =	shalt  }
0x7a: {  	_ =	shalt  }
0x7b: {  	_ =	shalt  }
0x7c: {  	_ =	shalt  }
0x7d: {  	_ =	shalt  }
0x7e: {  	_ =	shalt  }
0x7f: {  	_ =	shalt  }
0x80: {  	_ =	shalt  }
0x81: {  	_ =	shalt  }
0x82: {  	_ =	shalt  }
0x83: {  	_ =	shalt  }
0x84: {  	_ =	shalt  }
0x85: {  	_ =	shalt  }
0x86: {  	_ =	shalt  }
0x87: {  	_ =	shalt  }
.Lfunc_end0:
.L_simem_size_0:
called_computation_lowered:
.L_overlay_start_0:
0x88: {  	s2 =	sld [smem:$0x3FD9]  }
0x89: {  	s3 =	sld [smem:$0x3FFE];
	_ =	sdelay $0x1  }
0x8a: {  	s1 =	srdreg.scid  }
0x8b: {  	s0 =	sand.u32 $0x1, s1  }
0x8c: {  	s16 =	sshll.u32 s0, $0xA;
	s2 =	sadd.s32 s3, s2  }
0x8d: {  	s2 =	sadd.s32 s2, s16  }
0x8e: {  	[smem:$0x3FC1] =	sst s2  }
0x8f: {  	_ = 	snop  }
0x90: {  	(tm) =	ssettm $0x1  }
0x91: {  	s17 =	sld [smem:$0x3FFB];
	_ =	sdelay $0x3  }
0x92: {  	_ =	strace s17  }
0x93: {  	s2 =	sld [smem:$0x3FFC];
	_ =	sdelay $0x3  }
0x94: {  	_ =	strace s2  }
0x95: {  	s2 =	sld [smem:$0x3FFD];
	_ =	sdelay $0x3  }
0x96: {  	_ =	strace s2  }
0x97: {  	_ =	strace $0x8FFFFFFF  }
0x98: {  	s18 =	sld [smem:$0x3FDB];
	_ =	sdelay $0x1  }
0x99: {  	s19 =	simm.s32 $_scs_section_size  }
0x9a: {  	s4 =	simm.s32 $_size__tile_overlayer_lowered;
	s5 =	simm.s32 $_tile_overlayer_lowered  }
0x9b: {  	s22 =	simm.s32 $0x1BFF;
	s21 =	sshll.u32 s5, $0x1;
	s2 =	sadd.s32 s19, s18  }
0x9c: {  	s6 =	simm.s32 $0x0;
	s20 =	sshll.u32 s4, $0x1;
	s4 =	sadd.s32 s21, s2  }
0x9d: {  	[timem:s6], [sflag:s22] =	dma.local [hbm:s4], s20  }
0x9e: {  	_ =	swait.ge [sflag:s22], s20  }
0x9f: {  	s3 =	ssub.s32 $0x0, s20;
	[sflag:s22] =	ssyncset.done $0x0  }
0xa0: {  	[sflag:s22] =	ssyncadd.s32 s3;
	_ =	sdelay $0x1  }
0xa1: {  	s23 =	simm.s32 $0x1B8B  }
0xa2: {  	_ =	swait.ge [sflag:s23], $0x1  }
0xa3: {  	[sflag:s23] =	ssyncset.done $0x0  }
0xa4: {  	s25 =	simm.s32 $0x1B8E;
	s24 =	sld [smem:$0x3FFE];
	[sflag:s23] =	ssyncadd.s32 $0xFFFFFFFF  }
0xa5: {  	s26 =	simm.s32 $execute0_lowered;
	[smem:$0x3FD2] =	sst s25  }
0xa6: {  	s4 =	sshll.u32 s26, $0x1;
	_ =	strace $0x80000046;
	[dreg:$0x1] =	wrdreg $0xFFFFFFFF  }
0xa7: {  	s28 =	simm.s32 $_size_execute0_lowered;
	s2 =	sadd.s32 s2, s4;
	[dreg:$0x0] =	wrdreg $0x0  }
0xa8: {  	s4 =	sshll.u32 s28, $0x1;
	[dreg:$0x2] =	wrdreg s2  }
0xa9: {  	[dreg:$0x3] =	wrdreg s4  }
0xaa: {  	[dreg:$0x4] =	wrdreg $0xC0  }
0xab: {  	_ =	task [dreg:s6], $0x5FFFF  }
0xac: {  	[dreg:$0x1] =	wrdreg $0xFFFFFFFF  }
0xad: {  	[dreg:$0x0] =	wrdreg $0x60  }
0xae: {  	[dreg:$0x2] =	wrdreg s24  }
0xaf: {  	[dreg:$0x3] =	wrdreg $0x54000  }
0xb0: {  	[dreg:$0x4] =	wrdreg $0x9  }
0xb1: {  	_ =	task.clear_ibuf [dreg:s6], $0x5FFFF;
	_ =	strace $0x90000046  }
0xb2: {  	s29 =	simm.s32 $0x9;
	_ =	strace $0x80000048  }
0xb3: {  	_ =	swait.ge [sflag:s29], $0x1  }
0xb4: {  	[sflag:s29] =	ssyncadd.s32 $0xFFFFFFFF  }
0xb5: {  	_ =	strace $0x90000048  }
0xb6: {  	_ =	sfence  }
0xb7: {  	s30 =	sld [smem:$0x0];
	_ =	sdelay $0x2  }
0xb8: {  	s31 =	sshll.u32 s1, $0xD;
	s1 =	sshrl.u32 s1, $0x2  }
0xb9: {  	s3 =	sand.u32 $0x4000, s31;
	s1 =	sadd.s32 s1, s30  }
0xba: {  	s0 =	sor.u32 s3, s0;
	s1 =	sshll.u32 s1, $0x11  }
0xbb: {  	s0 =	sor.u32 s1, s0  }
0xbc: {  	s0 =	sadd.s32 $0x8F2B, s0  }
0xbd: {  	[sflag:s0] =	ssyncadd.remote.s32 $0x1  }
0xbe: {  	_ =	sfence.sel $0xFFFF  }
0xbf: {  	[dreg:$0x0] =	wrdreg $0xFFFFFFFF;
	(pc) =	sbr.abs _section_cstart, $3  }
0xc0: {  	[dreg:$0x1] =	wrdreg $0xFFFFFFFF  }
0xc1: {  	_ =	task.clear_ibuf [dreg:s6], $0x2FFFF;
	_ =	strace $0x9FFFFFFF  }
0xc2: {  	(tm) =	ssettm $0x7FFFFFFF  }
0xc3: {  	_ =	shalt  }
tec
execute0_lowered:
.L_overlay_start_1:
0x0: {  	(tag) =	ssettag $0x1  }
0x1: {  	s6 =	rddreg [dreg:$0x0]  }
0x2: {  	s0 =	srdreg.scid;
	s2 =	rddreg [dreg:$0x1]  }
0x3: {  	s3 =	simm.s32 $0x0;
	s5 =	sand.u32 $0x1, s0;
	s0 =	stileid.u32  }
0x4: {  	[smem:$0x7FF] =	sst s3;
	s1 =	sshll.u32 s5, $0x4;
	s7 =	smul.u32 $0x28000, s5  }
0x5: {  	s9 =	smul.u32 $0x50000, s0;
	s5 =	ssub.s32 $0x2, s5;
	s10 =	sshll.u32 s0, $0x6  }
0x6: {  	s13 =	smul.u32 $0x2800, s0;
	s4 =	sor.u32 s0, s1;
	s1 =	rddreg [dreg:$0x2]  }
0x7: {  	_ =	strace $0x80000047;
	s31 =	sshrl.u32 s5, $0x1;
	s4 =	smul.u32 $0x280, s4  }
0x8: {  	s7 =	sadd.s32 s7, s6;
	s9 =	sshrl.u32 s9, $0x2;
	s11 =	ssub.s32 s5, s31  }
0x9: {  	s5 =	sor.u32 $0x1C01, s10;
	s10 =	simm.s32 $0x80;
	s9 =	sadd.s32 s9, s2  }
0xa: {  	s12 =	sadd.s32 $0x9E00, s7;
	s7 =	smax.u32 s11, $0x1;
	s11 =	simm.s32 $0x1400  }
0xb: {  	s8 =	sadd.s32 s4, s6;
	s4 =	sadd.s32 $0x7600, s6;
	s12 =	sadd.s32 s13, s12  }
0xc: {  	v0 =	vimm.f32 $1.000000000e+00;
	s6 =	sadd.s32 $0x2600, s8;
	s8 =	sshrl.u32 s9, $0x3;
	s9 =	simm.s32 $0x1  }
.LBB2_1:
0xd: {  	s13 =	simm.s32 $0x0;
	s14 =	simm.s32 $0x200  }
.LBB2_2:
0xe: {  	p0 =	sne.s32 s14, $0xFE00;
	[tilespmem:s13+$0x1470] =	vst v0  }
0xf: {  	[tilespmem:s13+$0x1400] =	vst v0  }
0x10: {  	[tilespmem:s13+$0x1410] =	vst v0  }
.Ltmp0:
0x11: {  	[tilespmem:s13+$0x1420] =	vst v0;
	(pc) =	sbr.rel @p0 .LBB2_2-.Ltmp0, $4  }
0x12: {  	[tilespmem:s13+$0x1430] =	vst v0  }
0x13: {  	[tilespmem:s13+$0x1440] =	vst v0  }
0x14: {  	[tilespmem:s13+$0x1450] =	vst v0  }
0x15: {  	[tilespmem:s13+$0x1460] =	vst v0;
	s13 =	sshra.s32 s14, $0x2;
	s14 =	sadd.s32 $0x200, s14  }
0x16: {  	[tilespmem:s13+$0x1470] =	vst v0  }
0x17: {  	[tilespmem:s13+$0x1400] =	vst v0  }
0x18: {  	[tilespmem:s13+$0x1410] =	vst v0  }
0x19: {  	[tilespmem:s13+$0x1420] =	vst v0  }
0x1a: {  	[tilespmem:s13+$0x1430] =	vst v0  }
0x1b: {  	[tilespmem:s13+$0x1440] =	vst v0  }
0x1c: {  	[tilespmem:s13+$0x1450] =	vst v0  }
0x1d: {  	[tilespmem:s13+$0x1460] =	vst v0  }
0x1e: {  	[spmem:s8], [sflag:s5] =	dma.local [hbm:s4], $0x2800  }
0x1f: {  	_ =	swait.ge [sflag:s9], $0x2800  }
0x20: {  	[sflag:s9] =	ssyncset.done $0x0  }
0x21: {  	s30 =	simm.s32 $0x0;
	[sflag:s9] =	ssyncadd.s32 $0xFFFFD800  }
0x22: {  	[tilespmem:s30], [sflag:$0x1] =	stream.linear.gather [hbm4b:s6+s30], $0x1400, $0x38;
	[tilespmem:$0x19400] =	vst v63  }
0x23: {  	_ =	swait.ge [sflag:s9], $0x1400  }
0x24: {  	[sflag:s9] =	ssyncset.done $0x0  }
0x25: {  	[sflag:s9] =	ssyncadd.s32 $0xFFFFEC00  }
0x26: {  	s31 =	simm.s32 $0x0;
	[bflag:$0x0] =	sbarrier.arrive $0xFFFF  }
0x27: {  	[spmem:s2] =	stream.indirect.scatter.add.f32 [tilespmem:s11], [sflag:$0x1], $0x80, s31, s10, $0xb8;
	[tilespmem:$0x19400] =	vst v63  }
0x28: {  	_ =	swait.ge [sflag:s9], $0x4000  }
0x29: {  	s13 =	simm.s32 $0x200;
	[sflag:s9] =	ssyncset.done $0x0  }
.LBB2_4:
0x2a: {  	s14 =	sshra.s32 s13, $0x2;
	[sflag:s9] =	ssyncadd.s32 $0xFFFFC000;
	p0 =	sne.s32 s13, $0x4E00  }
0x2b: {  	[spmem:s2] =	stream.indirect.scatter.add.f32 [tilespmem:s11], [sflag:$0x1], $0x80, s14, s10, $0xb8;
	[tilespmem:$0x19400] =	vst v63  }
.Ltmp1:
0x2c: {  	_ = 	snop;
	(pc) =	sbr.rel @p0 .LBB2_4-.Ltmp1, $4  }
0x2d: {  	_ = 	snop  }
0x2e: {  	s13 =	sadd.s32 $0x200, s13  }
0x2f: {  	_ =	swait.ge [sflag:s9], $0x4000  }
0x30: {  	[sflag:s9] =	ssyncset.done $0x0  }
0x31: {  	s3 =	sadd.s32 $0x1, s3  }
0x32: {  	[sflag:s9] =	ssyncadd.s32 $0xFFFFC000;
	p0 =	sne.s32 s3, s7  }
.Ltmp2:
0x33: {  	[bflag:$0x0] =	sbarrier.arrive $0xFFFF;
	(pc) =	sbr.rel @p0 .LBB2_1-.Ltmp2, $4  }
0x34: {  	[hbm:s12], [sflag:s5] =	dma.local [spmem:s8], $0x2800  }
0x35: {  	_ =	swait.ge [sflag:s9], $0x2800  }
0x36: {  	[sflag:s9] =	ssyncset.done $0x0  }
0x37: {  	[sflag:s9] =	ssyncadd.s32 $0xFFFFD800  }
0x38: {  	_ =	sfence.sel $0x180000  }
0x39: {  	[bflag:$0x0] =	sbarrier.arrive $0xFFFF  }
0x3a: {  	p0 =	sne.s32 s0, $0x0;
	_ =	strace $0x90000047  }
0x3b: {  	s0 =	sadd.s32 @!p0 $0x100000, s1;
	[bflag:$0x2] =	sbarrier.arrive $0xFFFF  }
0x3c: {  	[sflag:s0] =	ssyncadd.tile.s32 @!p0 $0x1;
	_ =	shalt  }
.Lfunc_end2:
_tile_overlayer_lowered:
.L_overlay_start_2:
0x3d: {  	(tag) =	ssettag $0x2  }
0x3e: {  	s0 =	rddreg [dreg:$0x0];
	s2 =	stileid.u32  }
0x3f: {  	s1 =	rddreg [dreg:$0x1];
	p0 =	sne.s32 s2, $0x0  }
0x40: {  	s3 =	rddreg [dreg:$0x2];
	[bflag:$0x3] =	sbarrier.arrive $0xFFFF;
	s2 =	simm.s32 @!p0 $0x1C01  }
0x41: {  	[timem:s3], [sflag:s2] =	dma.local @!p0 [hbm:s0], s1  }
0x42: {  	s0 =	simm.s32 @!p0 $0x1  }
0x43: {  	_ =	swait.ge @!p0 [sflag:s0], s1  }
0x44: {  	s1 =	ssub.s32 @!p0 $0x0, s1;
	[sflag:s0] =	ssyncset.done @!p0 $0x0  }
0x45: {  	[sflag:s0] =	ssyncadd.s32 @!p0 s1  }
0x46: {  	[bflag:$0x3] =	sbarrier.arrive $0xFFFF  }
0x47: {  	_ =	shalt  }

</sc_bundles>
